<compile_context>
chip_gen: v7x
topology: tpu7x:2x2x1
jax: 0.10.2.dev20260603
libtpu: 0.0.44.dev20260713+nightly
codegen_flags: <defaults>
</compile_context>

<pallas_src>
import functools

import jax
import jax.numpy as jnp
from jax import lax
from jax.experimental import pallas as pl
from jax.experimental.pallas import tpu as pltpu
from jax.experimental.pallas import tpu_sc as plsc

_VOCAB = 8192
_BATCH = 16384
_NC = 2
_NS = 16
_NW = _NC * _NS
_BPW = _BATCH // _NW
_GCHUNK = 128
_NG = _BPW // _GCHUNK
_LANES = 16
_VPC = _GCHUNK // _LANES
_TR = _VOCAB // 8
_TC = _VOCAB // 128


def _sc_body(
    table_hbm, u_hbm, v_hbm, out_hbm,
    u_v, v_v, idx_v, vals_v,
    *sems,
):
    wid = lax.axis_index("s") * _NC + lax.axis_index("c")
    base = wid * _BPW

    uvsems = sems[:_NG]
    gsems = sems[_NG:2 * _NG]
    sem_w = sems[2 * _NG]
    loads = []
    for j in range(_NG):
        s = pl.ds(j * _GCHUNK, _GCHUNK)
        sh = pl.ds(base + j * _GCHUNK, _GCHUNK)
        loads.append((
            pltpu.async_copy(u_hbm.at[sh], u_v.at[s], uvsems[j]),
            pltpu.async_copy(v_hbm.at[sh], v_v.at[s], uvsems[j]),
        ))

    gathers = []
    for j in range(_NG):
        loads[j][0].wait()
        loads[j][1].wait()
        for i in range(_VPC):
            s = pl.ds(j * _GCHUNK + i * _LANES, _LANES)
            us = u_v[s]
            vs = v_v[s]
            idx_v[s] = (
                ((us >> 3) << 16) + ((vs >> 7) << 10) + ((us & 7) << 7) + (vs & 127)
            )
        gathers.append(
            pltpu.async_copy(
                table_hbm.at[idx_v.at[pl.ds(j * _GCHUNK, _GCHUNK)]],
                vals_v.at[pl.ds(j * _GCHUNK, _GCHUNK)],
                gsems[j],
            )
        )

    writes = []
    for j in range(_NG):
        gathers[j].wait()
        for i in range(_VPC):
            s = pl.ds(j * _GCHUNK + i * _LANES, _LANES)
            x = vals_v[s]
            vals_v[s] = 1.0 / (1.0 + jnp.exp(-x))
        writes.append(
            pltpu.async_copy(
                vals_v.at[pl.ds(j * _GCHUNK, _GCHUNK)],
                out_hbm.at[pl.ds(base + j * _GCHUNK, _GCHUNK)],
                sem_w,
            )
        )
    for w in writes:
        w.wait()


@jax.jit
def kernel(morphisms_logits, u, v):
    u32 = u.astype(jnp.int32)
    v32 = v.astype(jnp.int32)
    flat = (
        morphisms_logits.reshape(_TR, 8, _TC, 128)
        .transpose(0, 2, 1, 3)
        .reshape(_VOCAB * _VOCAB)
    )

    mesh = plsc.VectorSubcoreMesh(core_axis_name="c", subcore_axis_name="s")
    run = functools.partial(
        pl.kernel,
        mesh=mesh,
        out_type=jax.ShapeDtypeStruct((_BATCH,), jnp.float32),
        scratch_types=[
            pltpu.VMEM((_BPW,), jnp.int32),
            pltpu.VMEM((_BPW,), jnp.int32),
            pltpu.VMEM((_BPW,), jnp.int32),
            pltpu.VMEM((_BPW,), jnp.float32),
        ]
        + [pltpu.SemaphoreType.DMA] * (2 * _NG + 1),
        compiler_params=pltpu.CompilerParams(
            needs_layout_passes=False,
            disable_bounds_checks=True,
            disable_semaphore_checks=True,
            skip_device_barrier=True,
        ),
    )(_sc_body)
    return run(flat, u32, v32)

# --- scband reference (transcript-rebuilt; emitter-appended) ---
"""Pipeline reference for scband-topos-yoneda-model-9921374454412 (READ-ONLY COPY).

The authoritative reference and input builder live on the scoring server;
editing this copy changes nothing except your own understanding.
"""

import jax, jax.numpy as jnp
import numpy as np

VOCAB = 8192
BATCH = 16384

def setup_inputs(seed: int = 0) -> dict:
    key = jax.random.key(seed)
    k_w, k_u, k_v = jax.random.split(key, 3)
    morphisms_logits = jax.random.normal(k_w, (VOCAB, VOCAB), dtype=jnp.float32)
    u = jax.random.randint(k_u, (BATCH,), 0, VOCAB, dtype=jnp.int64)
    v = jax.random.randint(k_v, (BATCH,), 0, VOCAB, dtype=jnp.int64)
    return {"morphisms_logits": morphisms_logits, "u": u, "v": v}

def reference(morphisms_logits, u, v):
    # Faithful to torch: sigmoid over the FULL matrix, then advanced-index gather [u, v]
    morphisms = jax.nn.sigmoid(morphisms_logits)
    return morphisms[u, v]

if __name__ == "__main__":
    import jax
    _d = setup_inputs()
    print(jax.jit(kernel)(*tuple(_d.values())))

</pallas_src>

<mosaic_0001>
#map = affine_map<(d0, d1) -> (0)>
module attributes {stable_mosaic.version = 14 : i64} {
  func.func @_sc_body(%arg0: i32, %arg1: i32, %arg2: memref<67108864xf32, #tpu.memory_space<hbm>>, %arg3: memref<16384xi32, #tpu.memory_space<hbm>>, %arg4: memref<16384xi32, #tpu.memory_space<hbm>>, %arg5: memref<16384xf32, #tpu.memory_space<hbm>>, %arg6: memref<512xi32, #tpu.memory_space<vmem>>, %arg7: memref<512xi32, #tpu.memory_space<vmem>>, %arg8: memref<512xi32, #tpu.memory_space<vmem>>, %arg9: memref<512xf32, #tpu.memory_space<vmem>>, %arg10: memref<!tpu.dma_semaphore, #tpu.memory_space<semaphore_mem>>, %arg11: memref<!tpu.dma_semaphore, #tpu.memory_space<semaphore_mem>>, %arg12: memref<!tpu.dma_semaphore, #tpu.memory_space<semaphore_mem>>, %arg13: memref<!tpu.dma_semaphore, #tpu.memory_space<semaphore_mem>>, %arg14: memref<!tpu.dma_semaphore, #tpu.memory_space<semaphore_mem>>, %arg15: memref<!tpu.dma_semaphore, #tpu.memory_space<semaphore_mem>>, %arg16: memref<!tpu.dma_semaphore, #tpu.memory_space<semaphore_mem>>, %arg17: memref<!tpu.dma_semaphore, #tpu.memory_space<semaphore_mem>>, %arg18: memref<!tpu.dma_semaphore, #tpu.memory_space<semaphore_mem>>) attributes {dimension_semantics = [#tpu.dimension_semantics<core_parallel>, #tpu.dimension_semantics<subcore_parallel>], iteration_bounds = array<i64: 2, 16>, scalar_prefetch = 0 : i64, scratch_operands = 13 : i64, tpu.core_type = #tpu.core_type<sc_vector_subcore>, window_params = [{transform_indices = #map}, {transform_indices = #map}, {transform_indices = #map}, {transform_indices = #map}]} {
    %mul3A = arith.constant 2 : i32
    %mul3A_0 = arith.muli %arg1, %mul3A : i32
    %add3A = arith.addi %mul3A_0, %arg0 : i32
    %mul3A_1 = arith.constant 512 : i32
    %mul3A_2 = arith.muli %add3A, %mul3A_1 : i32
    %add3A_3 = arith.constant 0 : i32
    %add3A_4 = arith.addi %mul3A_2, %add3A_3 : i32
    %dma_start3A = arith.constant 0 : i32
    %dma_start3A_5 = tpu.memref_slice %arg6[%dma_start3A] : memref<512xi32, #tpu.memory_space<vmem>> -> memref<128xi32, #tpu.memory_space<vmem>>
    %dma_start3A_6 = tpu.memref_slice %arg3[%add3A_4] : memref<16384xi32, #tpu.memory_space<hbm>> -> memref<128xi32, #tpu.memory_space<hbm>>
    %dma_start3A_7 = arith.constant 0 : i32
    %dma_start3A_8 = tpu.memref_slice %arg6[%dma_start3A_7] : memref<512xi32, #tpu.memory_space<vmem>> -> memref<128xi32, #tpu.memory_space<vmem>>
    %dma_start3A_9 = tpu.memref_slice %arg3[%add3A_4] : memref<16384xi32, #tpu.memory_space<hbm>> -> memref<128xi32, #tpu.memory_space<hbm>>
    tpu.enqueue_dma source(%dma_start3A_9 : memref<128xi32, #tpu.memory_space<hbm>>) target(%dma_start3A_8 : memref<128xi32, #tpu.memory_space<vmem>>) target_semaphore(%arg10 : memref<!tpu.dma_semaphore, #tpu.memory_space<semaphore_mem>>)
    %dma_start3A_10 = arith.constant 0 : i32
    %dma_start3A_11 = tpu.memref_slice %arg7[%dma_start3A_10] : memref<512xi32, #tpu.memory_space<vmem>> -> memref<128xi32, #tpu.memory_space<vmem>>
    %dma_start3A_12 = tpu.memref_slice %arg4[%add3A_4] : memref<16384xi32, #tpu.memory_space<hbm>> -> memref<128xi32, #tpu.memory_space<hbm>>
    %dma_start3A_13 = arith.constant 0 : i32
    %dma_start3A_14 = tpu.memref_slice %arg7[%dma_start3A_13] : memref<512xi32, #tpu.memory_space<vmem>> -> memref<128xi32, #tpu.memory_space<vmem>>
    %dma_start3A_15 = tpu.memref_slice %arg4[%add3A_4] : memref<16384xi32, #tpu.memory_space<hbm>> -> memref<128xi32, #tpu.memory_space<hbm>>
    tpu.enqueue_dma source(%dma_start3A_15 : memref<128xi32, #tpu.memory_space<hbm>>) target(%dma_start3A_14 : memref<128xi32, #tpu.memory_space<vmem>>) target_semaphore(%arg10 : memref<!tpu.dma_semaphore, #tpu.memory_space<semaphore_mem>>)
    %add3A_16 = arith.constant 128 : i32
    %add3A_17 = arith.addi %mul3A_2, %add3A_16 : i32
    %dma_start3A_18 = arith.constant 128 : i32
    %dma_start3A_19 = tpu.memref_slice %arg6[%dma_start3A_18] : memref<512xi32, #tpu.memory_space<vmem>> -> memref<128xi32, #tpu.memory_space<vmem>>
    %dma_start3A_20 = tpu.memref_slice %arg3[%add3A_17] : memref<16384xi32, #tpu.memory_space<hbm>> -> memref<128xi32, #tpu.memory_space<hbm>>
    %dma_start3A_21 = arith.constant 128 : i32
    %dma_start3A_22 = tpu.memref_slice %arg6[%dma_start3A_21] : memref<512xi32, #tpu.memory_space<vmem>> -> memref<128xi32, #tpu.memory_space<vmem>>
    %dma_start3A_23 = tpu.memref_slice %arg3[%add3A_17] : memref<16384xi32, #tpu.memory_space<hbm>> -> memref<128xi32, #tpu.memory_space<hbm>>
    tpu.enqueue_dma source(%dma_start3A_23 : memref<128xi32, #tpu.memory_space<hbm>>) target(%dma_start3A_22 : memref<128xi32, #tpu.memory_space<vmem>>) target_semaphore(%arg11 : memref<!tpu.dma_semaphore, #tpu.memory_space<semaphore_mem>>)
    %dma_start3A_24 = arith.constant 128 : i32
    %dma_start3A_25 = tpu.memref_slice %arg7[%dma_start3A_24] : memref<512xi32, #tpu.memory_space<vmem>> -> memref<128xi32, #tpu.memory_space<vmem>>
    %dma_start3A_26 = tpu.memref_slice %arg4[%add3A_17] : memref<16384xi32, #tpu.memory_space<hbm>> -> memref<128xi32, #tpu.memory_space<hbm>>
    %dma_start3A_27 = arith.constant 128 : i32
    %dma_start3A_28 = tpu.memref_slice %arg7[%dma_start3A_27] : memref<512xi32, #tpu.memory_space<vmem>> -> memref<128xi32, #tpu.memory_space<vmem>>
    %dma_start3A_29 = tpu.memref_slice %arg4[%add3A_17] : memref<16384xi32, #tpu.memory_space<hbm>> -> memref<128xi32, #tpu.memory_space<hbm>>
    tpu.enqueue_dma source(%dma_start3A_29 : memref<128xi32, #tpu.memory_space<hbm>>) target(%dma_start3A_28 : memref<128xi32, #tpu.memory_space<vmem>>) target_semaphore(%arg11 : memref<!tpu.dma_semaphore, #tpu.memory_space<semaphore_mem>>)
    %add3A_30 = arith.constant 256 : i32
    %add3A_31 = arith.addi %mul3A_2, %add3A_30 : i32
    %dma_start3A_32 = arith.constant 256 : i32
    %dma_start3A_33 = tpu.memref_slice %arg6[%dma_start3A_32] : memref<512xi32, #tpu.memory_space<vmem>> -> memref<128xi32, #tpu.memory_space<vmem>>
    %dma_start3A_34 = tpu.memref_slice %arg3[%add3A_31] : memref<16384xi32, #tpu.memory_space<hbm>> -> memref<128xi32, #tpu.memory_space<hbm>>
    %dma_start3A_35 = arith.constant 256 : i32
    %dma_start3A_36 = tpu.memref_slice %arg6[%dma_start3A_35] : memref<512xi32, #tpu.memory_space<vmem>> -> memref<128xi32, #tpu.memory_space<vmem>>
    %dma_start3A_37 = tpu.memref_slice %arg3[%add3A_31] : memref<16384xi32, #tpu.memory_space<hbm>> -> memref<128xi32, #tpu.memory_space<hbm>>
    tpu.enqueue_dma source(%dma_start3A_37 : memref<128xi32, #tpu.memory_space<hbm>>) target(%dma_start3A_36 : memref<128xi32, #tpu.memory_space<vmem>>) target_semaphore(%arg12 : memref<!tpu.dma_semaphore, #tpu.memory_space<semaphore_mem>>)
    %dma_start3A_38 = arith.constant 256 : i32
    %dma_start3A_39 = tpu.memref_slice %arg7[%dma_start3A_38] : memref<512xi32, #tpu.memory_space<vmem>> -> memref<128xi32, #tpu.memory_space<vmem>>
    %dma_start3A_40 = tpu.memref_slice %arg4[%add3A_31] : memref<16384xi32, #tpu.memory_space<hbm>> -> memref<128xi32, #tpu.memory_space<hbm>>
    %dma_start3A_41 = arith.constant 256 : i32
    %dma_start3A_42 = tpu.memref_slice %arg7[%dma_start3A_41] : memref<512xi32, #tpu.memory_space<vmem>> -> memref<128xi32, #tpu.memory_space<vmem>>
    %dma_start3A_43 = tpu.memref_slice %arg4[%add3A_31] : memref<16384xi32, #tpu.memory_space<hbm>> -> memref<128xi32, #tpu.memory_space<hbm>>
    tpu.enqueue_dma source(%dma_start3A_43 : memref<128xi32, #tpu.memory_space<hbm>>) target(%dma_start3A_42 : memref<128xi32, #tpu.memory_space<vmem>>) target_semaphore(%arg12 : memref<!tpu.dma_semaphore, #tpu.memory_space<semaphore_mem>>)
    %add3A_44 = arith.constant 384 : i32
    %add3A_45 = arith.addi %mul3A_2, %add3A_44 : i32
    %dma_start3A_46 = arith.constant 384 : i32
    %dma_start3A_47 = tpu.memref_slice %arg6[%dma_start3A_46] : memref<512xi32, #tpu.memory_space<vmem>> -> memref<128xi32, #tpu.memory_space<vmem>>
    %dma_start3A_48 = tpu.memref_slice %arg3[%add3A_45] : memref<16384xi32, #tpu.memory_space<hbm>> -> memref<128xi32, #tpu.memory_space<hbm>>
    %dma_start3A_49 = arith.constant 384 : i32
    %dma_start3A_50 = tpu.memref_slice %arg6[%dma_start3A_49] : memref<512xi32, #tpu.memory_space<vmem>> -> memref<128xi32, #tpu.memory_space<vmem>>
    %dma_start3A_51 = tpu.memref_slice %arg3[%add3A_45] : memref<16384xi32, #tpu.memory_space<hbm>> -> memref<128xi32, #tpu.memory_space<hbm>>
    tpu.enqueue_dma source(%dma_start3A_51 : memref<128xi32, #tpu.memory_space<hbm>>) target(%dma_start3A_50 : memref<128xi32, #tpu.memory_space<vmem>>) target_semaphore(%arg13 : memref<!tpu.dma_semaphore, #tpu.memory_space<semaphore_mem>>)
    %dma_start3A_52 = arith.constant 384 : i32
    %dma_start3A_53 = tpu.memref_slice %arg7[%dma_start3A_52] : memref<512xi32, #tpu.memory_space<vmem>> -> memref<128xi32, #tpu.memory_space<vmem>>
    %dma_start3A_54 = tpu.memref_slice %arg4[%add3A_45] : memref<16384xi32, #tpu.memory_space<hbm>> -> memref<128xi32, #tpu.memory_space<hbm>>
    %dma_start3A_55 = arith.constant 384 : i32
    %dma_start3A_56 = tpu.memref_slice %arg7[%dma_start3A_55] : memref<512xi32, #tpu.memory_space<vmem>> -> memref<128xi32, #tpu.memory_space<vmem>>
    %dma_start3A_57 = tpu.memref_slice %arg4[%add3A_45] : memref<16384xi32, #tpu.memory_space<hbm>> -> memref<128xi32, #tpu.memory_space<hbm>>
    tpu.enqueue_dma source(%dma_start3A_57 : memref<128xi32, #tpu.memory_space<hbm>>) target(%dma_start3A_56 : memref<128xi32, #tpu.memory_space<vmem>>) target_semaphore(%arg13 : memref<!tpu.dma_semaphore, #tpu.memory_space<semaphore_mem>>)
    %dma_wait3A = arith.constant 0 : i32
    %dma_wait3A_58 = tpu.memref_slice %arg6[%dma_wait3A] : memref<512xi32, #tpu.memory_space<vmem>> -> memref<128xi32, #tpu.memory_space<vmem>>
    %dma_wait3A_59 = tpu.memref_slice %arg3[%add3A_4] : memref<16384xi32, #tpu.memory_space<hbm>> -> memref<128xi32, #tpu.memory_space<hbm>>
    %dma_wait3A_60 = arith.constant 0 : i32
    %dma_wait3A_61 = tpu.memref_slice %arg6[%dma_wait3A_60] : memref<512xi32, #tpu.memory_space<vmem>> -> memref<128xi32, #tpu.memory_space<vmem>>
    %dma_wait3A_62 = tpu.memref_slice %arg3[%add3A_4] : memref<16384xi32, #tpu.memory_space<hbm>> -> memref<128xi32, #tpu.memory_space<hbm>>
    tpu.wait_dma2 semaphore(%arg10 : memref<!tpu.dma_semaphore, #tpu.memory_space<semaphore_mem>>) src(%dma_wait3A_62 : memref<128xi32, #tpu.memory_space<hbm>>) dst(%dma_wait3A_61 : memref<128xi32, #tpu.memory_space<vmem>>)
    %dma_wait3A_63 = arith.constant 0 : i32
    %dma_wait3A_64 = tpu.memref_slice %arg7[%dma_wait3A_63] : memref<512xi32, #tpu.memory_space<vmem>> -> memref<128xi32, #tpu.memory_space<vmem>>
    %dma_wait3A_65 = tpu.memref_slice %arg4[%add3A_4] : memref<16384xi32, #tpu.memory_space<hbm>> -> memref<128xi32, #tpu.memory_space<hbm>>
    %dma_wait3A_66 = arith.constant 0 : i32
    %dma_wait3A_67 = tpu.memref_slice %arg7[%dma_wait3A_66] : memref<512xi32, #tpu.memory_space<vmem>> -> memref<128xi32, #tpu.memory_space<vmem>>
    %dma_wait3A_68 = tpu.memref_slice %arg4[%add3A_4] : memref<16384xi32, #tpu.memory_space<hbm>> -> memref<128xi32, #tpu.memory_space<hbm>>
    tpu.wait_dma2 semaphore(%arg10 : memref<!tpu.dma_semaphore, #tpu.memory_space<semaphore_mem>>) src(%dma_wait3A_68 : memref<128xi32, #tpu.memory_space<hbm>>) dst(%dma_wait3A_67 : memref<128xi32, #tpu.memory_space<vmem>>)
    %get3A = arith.constant 0 : index
    %get3A_69 = tpu.vector_load %arg6[%get3A] {strides = array<i32>} : memref<512xi32, #tpu.memory_space<vmem>>, vector<16xi32>,
    %get3A_70 = arith.constant 0 : index
    %get3A_71 = tpu.vector_load %arg7[%get3A_70] {strides = array<i32>} : memref<512xi32, #tpu.memory_space<vmem>>, vector<16xi32>,
    %shift_right_arithmetic3A = arith.constant 3 : i32
    %shift_right_arithmetic3A_72 = vector.broadcast %shift_right_arithmetic3A : i32 to vector<16xi32>
    %shift_right_arithmetic3A_73 = arith.shrsi %get3A_69, %shift_right_arithmetic3A_72 : vector<16xi32>
    %shift_left3A = arith.constant 16 : i32
    %shift_left3A_74 = vector.broadcast %shift_left3A : i32 to vector<16xi32>
    %shift_left3A_75 = arith.shli %shift_right_arithmetic3A_73, %shift_left3A_74 : vector<16xi32>
    %shift_right_arithmetic3A_76 = arith.constant 7 : i32
    %shift_right_arithmetic3A_77 = vector.broadcast %shift_right_arithmetic3A_76 : i32 to vector<16xi32>
    %shift_right_arithmetic3A_78 = arith.shrsi %get3A_71, %shift_right_arithmetic3A_77 : vector<16xi32>
    %shift_left3A_79 = arith.constant 10 : i32
    %shift_left3A_80 = vector.broadcast %shift_left3A_79 : i32 to vector<16xi32>
    %shift_left3A_81 = arith.shli %shift_right_arithmetic3A_78, %shift_left3A_80 : vector<16xi32>
    %add3A_82 = arith.addi %shift_left3A_75, %shift_left3A_81 : vector<16xi32>
    %and3A = arith.constant 7 : i32
    %and3A_83 = vector.broadcast %and3A : i32 to vector<16xi32>
    %and3A_84 = arith.andi %get3A_69, %and3A_83 : vector<16xi32>
    %shift_left3A_85 = arith.constant 7 : i32
    %shift_left3A_86 = vector.broadcast %shift_left3A_85 : i32 to vector<16xi32>
    %shift_left3A_87 = arith.shli %and3A_84, %shift_left3A_86 : vector<16xi32>
    %add3A_88 = arith.addi %add3A_82, %shift_left3A_87 : vector<16xi32>
    %and3A_89 = arith.constant 127 : i32
    %and3A_90 = vector.broadcast %and3A_89 : i32 to vector<16xi32>
    %and3A_91 = arith.andi %get3A_71, %and3A_90 : vector<16xi32>
    %add3A_92 = arith.addi %add3A_88, %and3A_91 : vector<16xi32>
    %swap3A = arith.constant 0 : index
    %swap3A_93 = tpu.vector_load %arg8[%swap3A] {strides = array<i32>} : memref<512xi32, #tpu.memory_space<vmem>>, vector<16xi32>,
    tpu.vector_store %arg8[%swap3A], %add3A_92 {strides = array<i32>} : memref<512xi32, #tpu.memory_space<vmem>>, vector<16xi32>,
    %get3A_94 = arith.constant 16 : index
    %get3A_95 = tpu.vector_load %arg6[%get3A_94] {strides = array<i32>} : memref<512xi32, #tpu.memory_space<vmem>>, vector<16xi32>,
    %get3A_96 = arith.constant 16 : index
    %get3A_97 = tpu.vector_load %arg7[%get3A_96] {strides = array<i32>} : memref<512xi32, #tpu.memory_space<vmem>>, vector<16xi32>,
    %shift_right_arithmetic3A_98 = arith.constant 3 : i32
    %shift_right_arithmetic3A_99 = vector.broadcast %shift_right_arithmetic3A_98 : i32 to vector<16xi32>
    %shift_right_arithmetic3A_100 = arith.shrsi %get3A_95, %shift_right_arithmetic3A_99 : vector<16xi32>
    %shift_left3A_101 = arith.constant 16 : i32
    %shift_left3A_102 = vector.broadcast %shift_left3A_101 : i32 to vector<16xi32>
    %shift_left3A_103 = arith.shli %shift_right_arithmetic3A_100, %shift_left3A_102 : vector<16xi32>
    %shift_right_arithmetic3A_104 = arith.constant 7 : i32
    %shift_right_arithmetic3A_105 = vector.broadcast %shift_right_arithmetic3A_104 : i32 to vector<16xi32>
    %shift_right_arithmetic3A_106 = arith.shrsi %get3A_97, %shift_right_arithmetic3A_105 : vector<16xi32>
    %shift_left3A_107 = arith.constant 10 : i32
    %shift_left3A_108 = vector.broadcast %shift_left3A_107 : i32 to vector<16xi32>
    %shift_left3A_109 = arith.shli %shift_right_arithmetic3A_106, %shift_left3A_108 : vector<16xi32>
    %add3A_110 = arith.addi %shift_left3A_103, %shift_left3A_109 : vector<16xi32>
    %and3A_111 = arith.constant 7 : i32
    %and3A_112 = vector.broadcast %and3A_111 : i32 to vector<16xi32>
    %and3A_113 = arith.andi %get3A_95, %and3A_112 : vector<16xi32>
    %shift_left3A_114 = arith.constant 7 : i32
    %shift_left3A_115 = vector.broadcast %shift_left3A_114 : i32 to vector<16xi32>
    %shift_left3A_116 = arith.shli %and3A_113, %shift_left3A_115 : vector<16xi32>
    %add3A_117 = arith.addi %add3A_110, %shift_left3A_116 : vector<16xi32>
    %and3A_118 = arith.constant 127 : i32
    %and3A_119 = vector.broadcast %and3A_118 : i32 to vector<16xi32>
    %and3A_120 = arith.andi %get3A_97, %and3A_119 : vector<16xi32>
    %add3A_121 = arith.addi %add3A_117, %and3A_120 : vector<16xi32>
    %swap3A_122 = arith.constant 16 : index
    %swap3A_123 = tpu.vector_load %arg8[%swap3A_122] {strides = array<i32>} : memref<512xi32, #tpu.memory_space<vmem>>, vector<16xi32>,
    tpu.vector_store %arg8[%swap3A_122], %add3A_121 {strides = array<i32>} : memref<512xi32, #tpu.memory_space<vmem>>, vector<16xi32>,
    %get3A_124 = arith.constant 32 : index
    %get3A_125 = tpu.vector_load %arg6[%get3A_124] {strides = array<i32>} : memref<512xi32, #tpu.memory_space<vmem>>, vector<16xi32>,
    %get3A_126 = arith.constant 32 : index
    %get3A_127 = tpu.vector_load %arg7[%get3A_126] {strides = array<i32>} : memref<512xi32, #tpu.memory_space<vmem>>, vector<16xi32>,
    %shift_right_arithmetic3A_128 = arith.constant 3 : i32
    %shift_right_arithmetic3A_129 = vector.broadcast %shift_right_arithmetic3A_128 : i32 to vector<16xi32>
    %shift_right_arithmetic3A_130 = arith.shrsi %get3A_125, %shift_right_arithmetic3A_129 : vector<16xi32>
    %shift_left3A_131 = arith.constant 16 : i32
    %shift_left3A_132 = vector.broadcast %shift_left3A_131 : i32 to vector<16xi32>
    %shift_left3A_133 = arith.shli %shift_right_arithmetic3A_130, %shift_left3A_132 : vector<16xi32>
    %shift_right_arithmetic3A_134 = arith.constant 7 : i32
    %shift_right_arithmetic3A_135 = vector.broadcast %shift_right_arithmetic3A_134 : i32 to vector<16xi32>
    %shift_right_arithmetic3A_136 = arith.shrsi %get3A_127, %shift_right_arithmetic3A_135 : vector<16xi32>
    %shift_left3A_137 = arith.constant 10 : i32
    %shift_left3A_138 = vector.broadcast %shift_left3A_137 : i32 to vector<16xi32>
    %shift_left3A_139 = arith.shli %shift_right_arithmetic3A_136, %shift_left3A_138 : vector<16xi32>
    %add3A_140 = arith.addi %shift_left3A_133, %shift_left3A_139 : vector<16xi32>
    %and3A_141 = arith.constant 7 : i32
    %and3A_142 = vector.broadcast %and3A_141 : i32 to vector<16xi32>
    %and3A_143 = arith.andi %get3A_125, %and3A_142 : vector<16xi32>
    %shift_left3A_144 = arith.constant 7 : i32
    %shift_left3A_145 = vector.broadcast %shift_left3A_144 : i32 to vector<16xi32>
    %shift_left3A_146 = arith.shli %and3A_143, %shift_left3A_145 : vector<16xi32>
    %add3A_147 = arith.addi %add3A_140, %shift_left3A_146 : vector<16xi32>
    %and3A_148 = arith.constant 127 : i32
    %and3A_149 = vector.broadcast %and3A_148 : i32 to vector<16xi32>
    %and3A_150 = arith.andi %get3A_127, %and3A_149 : vector<16xi32>
    %add3A_151 = arith.addi %add3A_147, %and3A_150 : vector<16xi32>
    %swap3A_152 = arith.constant 32 : index
    %swap3A_153 = tpu.vector_load %arg8[%swap3A_152] {strides = array<i32>} : memref<512xi32, #tpu.memory_space<vmem>>, vector<16xi32>,
    tpu.vector_store %arg8[%swap3A_152], %add3A_151 {strides = array<i32>} : memref<512xi32, #tpu.memory_space<vmem>>, vector<16xi32>,
    %get3A_154 = arith.constant 48 : index
    %get3A_155 = tpu.vector_load %arg6[%get3A_154] {strides = array<i32>} : memref<512xi32, #tpu.memory_space<vmem>>, vector<16xi32>,
    %get3A_156 = arith.constant 48 : index
    %get3A_157 = tpu.vector_load %arg7[%get3A_156] {strides = array<i32>} : memref<512xi32, #tpu.memory_space<vmem>>, vector<16xi32>,
    %shift_right_arithmetic3A_158 = arith.constant 3 : i32
    %shift_right_arithmetic3A_159 = vector.broadcast %shift_right_arithmetic3A_158 : i32 to vector<16xi32>
    %shift_right_arithmetic3A_160 = arith.shrsi %get3A_155, %shift_right_arithmetic3A_159 : vector<16xi32>
    %shift_left3A_161 = arith.constant 16 : i32
    %shift_left3A_162 = vector.broadcast %shift_left3A_161 : i32 to vector<16xi32>
    %shift_left3A_163 = arith.shli %shift_right_arithmetic3A_160, %shift_left3A_162 : vector<16xi32>
    %shift_right_arithmetic3A_164 = arith.constant 7 : i32
    %shift_right_arithmetic3A_165 = vector.broadcast %shift_right_arithmetic3A_164 : i32 to vector<16xi32>
    %shift_right_arithmetic3A_166 = arith.shrsi %get3A_157, %shift_right_arithmetic3A_165 : vector<16xi32>
    %shift_left3A_167 = arith.constant 10 : i32
    %shift_left3A_168 = vector.broadcast %shift_left3A_167 : i32 to vector<16xi32>
    %shift_left3A_169 = arith.shli %shift_right_arithmetic3A_166, %shift_left3A_168 : vector<16xi32>
    %add3A_170 = arith.addi %shift_left3A_163, %shift_left3A_169 : vector<16xi32>
    %and3A_171 = arith.constant 7 : i32
    %and3A_172 = vector.broadcast %and3A_171 : i32 to vector<16xi32>
    %and3A_173 = arith.andi %get3A_155, %and3A_172 : vector<16xi32>
    %shift_left3A_174 = arith.constant 7 : i32
    %shift_left3A_175 = vector.broadcast %shift_left3A_174 : i32 to vector<16xi32>
    %shift_left3A_176 = arith.shli %and3A_173, %shift_left3A_175 : vector<16xi32>
    %add3A_177 = arith.addi %add3A_170, %shift_left3A_176 : vector<16xi32>
    %and3A_178 = arith.constant 127 : i32
    %and3A_179 = vector.broadcast %and3A_178 : i32 to vector<16xi32>
    %and3A_180 = arith.andi %get3A_157, %and3A_179 : vector<16xi32>
    %add3A_181 = arith.addi %add3A_177, %and3A_180 : vector<16xi32>
    %swap3A_182 = arith.constant 48 : index
    %swap3A_183 = tpu.vector_load %arg8[%swap3A_182] {strides = array<i32>} : memref<512xi32, #tpu.memory_space<vmem>>, vector<16xi32>,
    tpu.vector_store %arg8[%swap3A_182], %add3A_181 {strides = array<i32>} : memref<512xi32, #tpu.memory_space<vmem>>, vector<16xi32>,
    %get3A_184 = arith.constant 64 : index
    %get3A_185 = tpu.vector_load %arg6[%get3A_184] {strides = array<i32>} : memref<512xi32, #tpu.memory_space<vmem>>, vector<16xi32>,
    %get3A_186 = arith.constant 64 : index
    %get3A_187 = tpu.vector_load %arg7[%get3A_186] {strides = array<i32>} : memref<512xi32, #tpu.memory_space<vmem>>, vector<16xi32>,
    %shift_right_arithmetic3A_188 = arith.constant 3 : i32
    %shift_right_arithmetic3A_189 = vector.broadcast %shift_right_arithmetic3A_188 : i32 to vector<16xi32>
    %shift_right_arithmetic3A_190 = arith.shrsi %get3A_185, %shift_right_arithmetic3A_189 : vector<16xi32>
    %shift_left3A_191 = arith.constant 16 : i32
    %shift_left3A_192 = vector.broadcast %shift_left3A_191 : i32 to vector<16xi32>
    %shift_left3A_193 = arith.shli %shift_right_arithmetic3A_190, %shift_left3A_192 : vector<16xi32>
    %shift_right_arithmetic3A_194 = arith.constant 7 : i32
    %shift_right_arithmetic3A_195 = vector.broadcast %shift_right_arithmetic3A_194 : i32 to vector<16xi32>
    %shift_right_arithmetic3A_196 = arith.shrsi %get3A_187, %shift_right_arithmetic3A_195 : vector<16xi32>
    %shift_left3A_197 = arith.constant 10 : i32
    %shift_left3A_198 = vector.broadcast %shift_left3A_197 : i32 to vector<16xi32>
    %shift_left3A_199 = arith.shli %shift_right_arithmetic3A_196, %shift_left3A_198 : vector<16xi32>
    %add3A_200 = arith.addi %shift_left3A_193, %shift_left3A_199 : vector<16xi32>
    %and3A_201 = arith.constant 7 : i32
    %and3A_202 = vector.broadcast %and3A_201 : i32 to vector<16xi32>
    %and3A_203 = arith.andi %get3A_185, %and3A_202 : vector<16xi32>
    %shift_left3A_204 = arith.constant 7 : i32
    %shift_left3A_205 = vector.broadcast %shift_left3A_204 : i32 to vector<16xi32>
    %shift_left3A_206 = arith.shli %and3A_203, %shift_left3A_205 : vector<16xi32>
    %add3A_207 = arith.addi %add3A_200, %shift_left3A_206 : vector<16xi32>
    %and3A_208 = arith.constant 127 : i32
    %and3A_209 = vector.broadcast %and3A_208 : i32 to vector<16xi32>
    %and3A_210 = arith.andi %get3A_187, %and3A_209 : vector<16xi32>
    %add3A_211 = arith.addi %add3A_207, %and3A_210 : vector<16xi32>
    %swap3A_212 = arith.constant 64 : index
    %swap3A_213 = tpu.vector_load %arg8[%swap3A_212] {strides = array<i32>} : memref<512xi32, #tpu.memory_space<vmem>>, vector<16xi32>,
    tpu.vector_store %arg8[%swap3A_212], %add3A_211 {strides = array<i32>} : memref<512xi32, #tpu.memory_space<vmem>>, vector<16xi32>,
    %get3A_214 = arith.constant 80 : index
    %get3A_215 = tpu.vector_load %arg6[%get3A_214] {strides = array<i32>} : memref<512xi32, #tpu.memory_space<vmem>>, vector<16xi32>,
    %get3A_216 = arith.constant 80 : index
    %get3A_217 = tpu.vector_load %arg7[%get3A_216] {strides = array<i32>} : memref<512xi32, #tpu.memory_space<vmem>>, vector<16xi32>,
    %shift_right_arithmetic3A_218 = arith.constant 3 : i32
    %shift_right_arithmetic3A_219 = vector.broadcast %shift_right_arithmetic3A_218 : i32 to vector<16xi32>
    %shift_right_arithmetic3A_220 = arith.shrsi %get3A_215, %shift_right_arithmetic3A_219 : vector<16xi32>
    %shift_left3A_221 = arith.constant 16 : i32
    %shift_left3A_222 = vector.broadcast %shift_left3A_221 : i32 to vector<16xi32>
    %shift_left3A_223 = arith.shli %shift_right_arithmetic3A_220, %shift_left3A_222 : vector<16xi32>
    %shift_right_arithmetic3A_224 = arith.constant 7 : i32
    %shift_right_arithmetic3A_225 = vector.broadcast %shift_right_arithmetic3A_224 : i32 to vector<16xi32>
    %shift_right_arithmetic3A_226 = arith.shrsi %get3A_217, %shift_right_arithmetic3A_225 : vector<16xi32>
    %shift_left3A_227 = arith.constant 10 : i32
    %shift_left3A_228 = vector.broadcast %shift_left3A_227 : i32 to vector<16xi32>
    %shift_left3A_229 = arith.shli %shift_right_arithmetic3A_226, %shift_left3A_228 : vector<16xi32>
    %add3A_230 = arith.addi %shift_left3A_223, %shift_left3A_229 : vector<16xi32>
    %and3A_231 = arith.constant 7 : i32
    %and3A_232 = vector.broadcast %and3A_231 : i32 to vector<16xi32>
    %and3A_233 = arith.andi %get3A_215, %and3A_232 : vector<16xi32>
    %shift_left3A_234 = arith.constant 7 : i32
    %shift_left3A_235 = vector.broadcast %shift_left3A_234 : i32 to vector<16xi32>
    %shift_left3A_236 = arith.shli %and3A_233, %shift_left3A_235 : vector<16xi32>
    %add3A_237 = arith.addi %add3A_230, %shift_left3A_236 : vector<16xi32>
    %and3A_238 = arith.constant 127 : i32
    %and3A_239 = vector.broadcast %and3A_238 : i32 to vector<16xi32>
    %and3A_240 = arith.andi %get3A_217, %and3A_239 : vector<16xi32>
    %add3A_241 = arith.addi %add3A_237, %and3A_240 : vector<16xi32>
    %swap3A_242 = arith.constant 80 : index
    %swap3A_243 = tpu.vector_load %arg8[%swap3A_242] {strides = array<i32>} : memref<512xi32, #tpu.memory_space<vmem>>, vector<16xi32>,
    tpu.vector_store %arg8[%swap3A_242], %add3A_241 {strides = array<i32>} : memref<512xi32, #tpu.memory_space<vmem>>, vector<16xi32>,
    %get3A_244 = arith.constant 96 : index
    %get3A_245 = tpu.vector_load %arg6[%get3A_244] {strides = array<i32>} : memref<512xi32, #tpu.memory_space<vmem>>, vector<16xi32>,
    %get3A_246 = arith.constant 96 : index
    %get3A_247 = tpu.vector_load %arg7[%get3A_246] {strides = array<i32>} : memref<512xi32, #tpu.memory_space<vmem>>, vector<16xi32>,
    %shift_right_arithmetic3A_248 = arith.constant 3 : i32
    %shift_right_arithmetic3A_249 = vector.broadcast %shift_right_arithmetic3A_248 : i32 to vector<16xi32>
    %shift_right_arithmetic3A_250 = arith.shrsi %get3A_245, %shift_right_arithmetic3A_249 : vector<16xi32>
    %shift_left3A_251 = arith.constant 16 : i32
    %shift_left3A_252 = vector.broadcast %shift_left3A_251 : i32 to vector<16xi32>
    %shift_left3A_253 = arith.shli %shift_right_arithmetic3A_250, %shift_left3A_252 : vector<16xi32>
    %shift_right_arithmetic3A_254 = arith.constant 7 : i32
    %shift_right_arithmetic3A_255 = vector.broadcast %shift_right_arithmetic3A_254 : i32 to vector<16xi32>
    %shift_right_arithmetic3A_256 = arith.shrsi %get3A_247, %shift_right_arithmetic3A_255 : vector<16xi32>
    %shift_left3A_257 = arith.constant 10 : i32
    %shift_left3A_258 = vector.broadcast %shift_left3A_257 : i32 to vector<16xi32>
    %shift_left3A_259 = arith.shli %shift_right_arithmetic3A_256, %shift_left3A_258 : vector<16xi32>
    %add3A_260 = arith.addi %shift_left3A_253, %shift_left3A_259 : vector<16xi32>
    %and3A_261 = arith.constant 7 : i32
    %and3A_262 = vector.broadcast %and3A_261 : i32 to vector<16xi32>
    %and3A_263 = arith.andi %get3A_245, %and3A_262 : vector<16xi32>
    %shift_left3A_264 = arith.constant 7 : i32
    %shift_left3A_265 = vector.broadcast %shift_left3A_264 : i32 to vector<16xi32>
    %shift_left3A_266 = arith.shli %and3A_263, %shift_left3A_265 : vector<16xi32>
    %add3A_267 = arith.addi %add3A_260, %shift_left3A_266 : vector<16xi32>
    %and3A_268 = arith.constant 127 : i32
    %and3A_269 = vector.broadcast %and3A_268 : i32 to vector<16xi32>
    %and3A_270 = arith.andi %get3A_247, %and3A_269 : vector<16xi32>
    %add3A_271 = arith.addi %add3A_267, %and3A_270 : vector<16xi32>
    %swap3A_272 = arith.constant 96 : index
    %swap3A_273 = tpu.vector_load %arg8[%swap3A_272] {strides = array<i32>} : memref<512xi32, #tpu.memory_space<vmem>>, vector<16xi32>,
    tpu.vector_store %arg8[%swap3A_272], %add3A_271 {strides = array<i32>} : memref<512xi32, #tpu.memory_space<vmem>>, vector<16xi32>,
    %get3A_274 = arith.constant 112 : index
    %get3A_275 = tpu.vector_load %arg6[%get3A_274] {strides = array<i32>} : memref<512xi32, #tpu.memory_space<vmem>>, vector<16xi32>,
    %get3A_276 = arith.constant 112 : index
    %get3A_277 = tpu.vector_load %arg7[%get3A_276] {strides = array<i32>} : memref<512xi32, #tpu.memory_space<vmem>>, vector<16xi32>,
    %shift_right_arithmetic3A_278 = arith.constant 3 : i32
    %shift_right_arithmetic3A_279 = vector.broadcast %shift_right_arithmetic3A_278 : i32 to vector<16xi32>
    %shift_right_arithmetic3A_280 = arith.shrsi %get3A_275, %shift_right_arithmetic3A_279 : vector<16xi32>
    %shift_left3A_281 = arith.constant 16 : i32
    %shift_left3A_282 = vector.broadcast %shift_left3A_281 : i32 to vector<16xi32>
    %shift_left3A_283 = arith.shli %shift_right_arithmetic3A_280, %shift_left3A_282 : vector<16xi32>
    %shift_right_arithmetic3A_284 = arith.constant 7 : i32
    %shift_right_arithmetic3A_285 = vector.broadcast %shift_right_arithmetic3A_284 : i32 to vector<16xi32>
    %shift_right_arithmetic3A_286 = arith.shrsi %get3A_277, %shift_right_arithmetic3A_285 : vector<16xi32>
    %shift_left3A_287 = arith.constant 10 : i32
    %shift_left3A_288 = vector.broadcast %shift_left3A_287 : i32 to vector<16xi32>
    %shift_left3A_289 = arith.shli %shift_right_arithmetic3A_286, %shift_left3A_288 : vector<16xi32>
    %add3A_290 = arith.addi %shift_left3A_283, %shift_left3A_289 : vector<16xi32>
    %and3A_291 = arith.constant 7 : i32
    %and3A_292 = vector.broadcast %and3A_291 : i32 to vector<16xi32>
    %and3A_293 = arith.andi %get3A_275, %and3A_292 : vector<16xi32>
    %shift_left3A_294 = arith.constant 7 : i32
    %shift_left3A_295 = vector.broadcast %shift_left3A_294 : i32 to vector<16xi32>
    %shift_left3A_296 = arith.shli %and3A_293, %shift_left3A_295 : vector<16xi32>
    %add3A_297 = arith.addi %add3A_290, %shift_left3A_296 : vector<16xi32>
    %and3A_298 = arith.constant 127 : i32
    %and3A_299 = vector.broadcast %and3A_298 : i32 to vector<16xi32>
    %and3A_300 = arith.andi %get3A_277, %and3A_299 : vector<16xi32>
    %add3A_301 = arith.addi %add3A_297, %and3A_300 : vector<16xi32>
    %swap3A_302 = arith.constant 112 : index
    %swap3A_303 = tpu.vector_load %arg8[%swap3A_302] {strides = array<i32>} : memref<512xi32, #tpu.memory_space<vmem>>, vector<16xi32>,
    tpu.vector_store %arg8[%swap3A_302], %add3A_301 {strides = array<i32>} : memref<512xi32, #tpu.memory_space<vmem>>, vector<16xi32>,
    %dma_start3A_304 = arith.constant 0 : i32
    %dma_start3A_305 = tpu.memref_slice %arg9[%dma_start3A_304] : memref<512xf32, #tpu.memory_space<vmem>> -> memref<128xf32, #tpu.memory_space<vmem>>
    %dma_start3A_306 = arith.constant 0 : i32
    %dma_start3A_307 = tpu.memref_slice %arg8[%dma_start3A_306] : memref<512xi32, #tpu.memory_space<vmem>> -> memref<128xi32, #tpu.memory_space<vmem>>
    %dma_start3A_308 = arith.constant 0 : i32
    %dma_start3A_309 = tpu.memref_slice %arg2[%dma_start3A_308] : memref<67108864xf32, #tpu.memory_space<hbm>> -> memref<67108864xf32, #tpu.memory_space<hbm>>
    tpu.enqueue_indirect_dma source(%dma_start3A_309 : memref<67108864xf32, #tpu.memory_space<hbm>>) target(%dma_start3A_305 : memref<128xf32, #tpu.memory_space<vmem>>) offsets(%dma_start3A_307 : memref<128xi32, #tpu.memory_space<vmem>>) semaphore(%arg14 : memref<!tpu.dma_semaphore, #tpu.memory_space<semaphore_mem>>)
    %dma_wait3A_310 = arith.constant 128 : i32
    %dma_wait3A_311 = tpu.memref_slice %arg6[%dma_wait3A_310] : memref<512xi32, #tpu.memory_space<vmem>> -> memref<128xi32, #tpu.memory_space<vmem>>
    %dma_wait3A_312 = tpu.memref_slice %arg3[%add3A_17] : memref<16384xi32, #tpu.memory_space<hbm>> -> memref<128xi32, #tpu.memory_space<hbm>>
    %dma_wait3A_313 = arith.constant 128 : i32
    %dma_wait3A_314 = tpu.memref_slice %arg6[%dma_wait3A_313] : memref<512xi32, #tpu.memory_space<vmem>> -> memref<128xi32, #tpu.memory_space<vmem>>
    %dma_wait3A_315 = tpu.memref_slice %arg3[%add3A_17] : memref<16384xi32, #tpu.memory_space<hbm>> -> memref<128xi32, #tpu.memory_space<hbm>>
    tpu.wait_dma2 semaphore(%arg11 : memref<!tpu.dma_semaphore, #tpu.memory_space<semaphore_mem>>) src(%dma_wait3A_315 : memref<128xi32, #tpu.memory_space<hbm>>) dst(%dma_wait3A_314 : memref<128xi32, #tpu.memory_space<vmem>>)
    %dma_wait3A_316 = arith.constant 128 : i32
    %dma_wait3A_317 = tpu.memref_slice %arg7[%dma_wait3A_316] : memref<512xi32, #tpu.memory_space<vmem>> -> memref<128xi32, #tpu.memory_space<vmem>>
    %dma_wait3A_318 = tpu.memref_slice %arg4[%add3A_17] : memref<16384xi32, #tpu.memory_space<hbm>> -> memref<128xi32, #tpu.memory_space<hbm>>
    %dma_wait3A_319 = arith.constant 128 : i32
    %dma_wait3A_320 = tpu.memref_slice %arg7[%dma_wait3A_319] : memref<512xi32, #tpu.memory_space<vmem>> -> memref<128xi32, #tpu.memory_space<vmem>>
    %dma_wait3A_321 = tpu.memref_slice %arg4[%add3A_17] : memref<16384xi32, #tpu.memory_space<hbm>> -> memref<128xi32, #tpu.memory_space<hbm>>
    tpu.wait_dma2 semaphore(%arg11 : memref<!tpu.dma_semaphore, #tpu.memory_space<semaphore_mem>>) src(%dma_wait3A_321 : memref<128xi32, #tpu.memory_space<hbm>>) dst(%dma_wait3A_320 : memref<128xi32, #tpu.memory_space<vmem>>)
    %get3A_322 = arith.constant 128 : index
    %get3A_323 = tpu.vector_load %arg6[%get3A_322] {strides = array<i32>} : memref<512xi32, #tpu.memory_space<vmem>>, vector<16xi32>,
    %get3A_324 = arith.constant 128 : index
    %get3A_325 = tpu.vector_load %arg7[%get3A_324] {strides = array<i32>} : memref<512xi32, #tpu.memory_space<vmem>>, vector<16xi32>,
    %shift_right_arithmetic3A_326 = arith.constant 3 : i32
    %shift_right_arithmetic3A_327 = vector.broadcast %shift_right_arithmetic3A_326 : i32 to vector<16xi32>
    %shift_right_arithmetic3A_328 = arith.shrsi %get3A_323, %shift_right_arithmetic3A_327 : vector<16xi32>
    %shift_left3A_329 = arith.constant 16 : i32
    %shift_left3A_330 = vector.broadcast %shift_left3A_329 : i32 to vector<16xi32>
    %shift_left3A_331 = arith.shli %shift_right_arithmetic3A_328, %shift_left3A_330 : vector<16xi32>
    %shift_right_arithmetic3A_332 = arith.constant 7 : i32
    %shift_right_arithmetic3A_333 = vector.broadcast %shift_right_arithmetic3A_332 : i32 to vector<16xi32>
    %shift_right_arithmetic3A_334 = arith.shrsi %get3A_325, %shift_right_arithmetic3A_333 : vector<16xi32>
    %shift_left3A_335 = arith.constant 10 : i32
    %shift_left3A_336 = vector.broadcast %shift_left3A_335 : i32 to vector<16xi32>
    %shift_left3A_337 = arith.shli %shift_right_arithmetic3A_334, %shift_left3A_336 : vector<16xi32>
    %add3A_338 = arith.addi %shift_left3A_331, %shift_left3A_337 : vector<16xi32>
    %and3A_339 = arith.constant 7 : i32
    %and3A_340 = vector.broadcast %and3A_339 : i32 to vector<16xi32>
    %and3A_341 = arith.andi %get3A_323, %and3A_340 : vector<16xi32>
    %shift_left3A_342 = arith.constant 7 : i32
    %shift_left3A_343 = vector.broadcast %shift_left3A_342 : i32 to vector<16xi32>
    %shift_left3A_344 = arith.shli %and3A_341, %shift_left3A_343 : vector<16xi32>
    %add3A_345 = arith.addi %add3A_338, %shift_left3A_344 : vector<16xi32>
    %and3A_346 = arith.constant 127 : i32
    %and3A_347 = vector.broadcast %and3A_346 : i32 to vector<16xi32>
    %and3A_348 = arith.andi %get3A_325, %and3A_347 : vector<16xi32>
    %add3A_349 = arith.addi %add3A_345, %and3A_348 : vector<16xi32>
    %swap3A_350 = arith.constant 128 : index
    %swap3A_351 = tpu.vector_load %arg8[%swap3A_350] {strides = array<i32>} : memref<512xi32, #tpu.memory_space<vmem>>, vector<16xi32>,
    tpu.vector_store %arg8[%swap3A_350], %add3A_349 {strides = array<i32>} : memref<512xi32, #tpu.memory_space<vmem>>, vector<16xi32>,
    %get3A_352 = arith.constant 144 : index
    %get3A_353 = tpu.vector_load %arg6[%get3A_352] {strides = array<i32>} : memref<512xi32, #tpu.memory_space<vmem>>, vector<16xi32>,
    %get3A_354 = arith.constant 144 : index
    %get3A_355 = tpu.vector_load %arg7[%get3A_354] {strides = array<i32>} : memref<512xi32, #tpu.memory_space<vmem>>, vector<16xi32>,
    %shift_right_arithmetic3A_356 = arith.constant 3 : i32
    %shift_right_arithmetic3A_357 = vector.broadcast %shift_right_arithmetic3A_356 : i32 to vector<16xi32>
    %shift_right_arithmetic3A_358 = arith.shrsi %get3A_353, %shift_right_arithmetic3A_357 : vector<16xi32>
    %shift_left3A_359 = arith.constant 16 : i32
    %shift_left3A_360 = vector.broadcast %shift_left3A_359 : i32 to vector<16xi32>
    %shift_left3A_361 = arith.shli %shift_right_arithmetic3A_358, %shift_left3A_360 : vector<16xi32>
    %shift_right_arithmetic3A_362 = arith.constant 7 : i32
    %shift_right_arithmetic3A_363 = vector.broadcast %shift_right_arithmetic3A_362 : i32 to vector<16xi32>
    %shift_right_arithmetic3A_364 = arith.shrsi %get3A_355, %shift_right_arithmetic3A_363 : vector<16xi32>
    %shift_left3A_365 = arith.constant 10 : i32
    %shift_left3A_366 = vector.broadcast %shift_left3A_365 : i32 to vector<16xi32>
    %shift_left3A_367 = arith.shli %shift_right_arithmetic3A_364, %shift_left3A_366 : vector<16xi32>
    %add3A_368 = arith.addi %shift_left3A_361, %shift_left3A_367 : vector<16xi32>
    %and3A_369 = arith.constant 7 : i32
    %and3A_370 = vector.broadcast %and3A_369 : i32 to vector<16xi32>
    %and3A_371 = arith.andi %get3A_353, %and3A_370 : vector<16xi32>
    %shift_left3A_372 = arith.constant 7 : i32
    %shift_left3A_373 = vector.broadcast %shift_left3A_372 : i32 to vector<16xi32>
    %shift_left3A_374 = arith.shli %and3A_371, %shift_left3A_373 : vector<16xi32>
    %add3A_375 = arith.addi %add3A_368, %shift_left3A_374 : vector<16xi32>
    %and3A_376 = arith.constant 127 : i32
    %and3A_377 = vector.broadcast %and3A_376 : i32 to vector<16xi32>
    %and3A_378 = arith.andi %get3A_355, %and3A_377 : vector<16xi32>
    %add3A_379 = arith.addi %add3A_375, %and3A_378 : vector<16xi32>
    %swap3A_380 = arith.constant 144 : index
    %swap3A_381 = tpu.vector_load %arg8[%swap3A_380] {strides = array<i32>} : memref<512xi32, #tpu.memory_space<vmem>>, vector<16xi32>,
    tpu.vector_store %arg8[%swap3A_380], %add3A_379 {strides = array<i32>} : memref<512xi32, #tpu.memory_space<vmem>>, vector<16xi32>,
    %get3A_382 = arith.constant 160 : index
    %get3A_383 = tpu.vector_load %arg6[%get3A_382] {strides = array<i32>} : memref<512xi32, #tpu.memory_space<vmem>>, vector<16xi32>,
    %get3A_384 = arith.constant 160 : index
    %get3A_385 = tpu.vector_load %arg7[%get3A_384] {strides = array<i32>} : memref<512xi32, #tpu.memory_space<vmem>>, vector<16xi32>,
    %shift_right_arithmetic3A_386 = arith.constant 3 : i32
    %shift_right_arithmetic3A_387 = vector.broadcast %shift_right_arithmetic3A_386 : i32 to vector<16xi32>
    %shift_right_arithmetic3A_388 = arith.shrsi %get3A_383, %shift_right_arithmetic3A_387 : vector<16xi32>
    %shift_left3A_389 = arith.constant 16 : i32
    %shift_left3A_390 = vector.broadcast %shift_left3A_389 : i32 to vector<16xi32>
    %shift_left3A_391 = arith.shli %shift_right_arithmetic3A_388, %shift_left3A_390 : vector<16xi32>
    %shift_right_arithmetic3A_392 = arith.constant 7 : i32
    %shift_right_arithmetic3A_393 = vector.broadcast %shift_right_arithmetic3A_392 : i32 to vector<16xi32>
    %shift_right_arithmetic3A_394 = arith.shrsi %get3A_385, %shift_right_arithmetic3A_393 : vector<16xi32>
    %shift_left3A_395 = arith.constant 10 : i32
    %shift_left3A_396 = vector.broadcast %shift_left3A_395 : i32 to vector<16xi32>
    %shift_left3A_397 = arith.shli %shift_right_arithmetic3A_394, %shift_left3A_396 : vector<16xi32>
    %add3A_398 = arith.addi %shift_left3A_391, %shift_left3A_397 : vector<16xi32>
    %and3A_399 = arith.constant 7 : i32
    %and3A_400 = vector.broadcast %and3A_399 : i32 to vector<16xi32>
    %and3A_401 = arith.andi %get3A_383, %and3A_400 : vector<16xi32>
    %shift_left3A_402 = arith.constant 7 : i32
    %shift_left3A_403 = vector.broadcast %shift_left3A_402 : i32 to vector<16xi32>
    %shift_left3A_404 = arith.shli %and3A_401, %shift_left3A_403 : vector<16xi32>
    %add3A_405 = arith.addi %add3A_398, %shift_left3A_404 : vector<16xi32>
    %and3A_406 = arith.constant 127 : i32
    %and3A_407 = vector.broadcast %and3A_406 : i32 to vector<16xi32>
    %and3A_408 = arith.andi %get3A_385, %and3A_407 : vector<16xi32>
    %add3A_409 = arith.addi %add3A_405, %and3A_408 : vector<16xi32>
    %swap3A_410 = arith.constant 160 : index
    %swap3A_411 = tpu.vector_load %arg8[%swap3A_410] {strides = array<i32>} : memref<512xi32, #tpu.memory_space<vmem>>, vector<16xi32>,
    tpu.vector_store %arg8[%swap3A_410], %add3A_409 {strides = array<i32>} : memref<512xi32, #tpu.memory_space<vmem>>, vector<16xi32>,
    %get3A_412 = arith.constant 176 : index
    %get3A_413 = tpu.vector_load %arg6[%get3A_412] {strides = array<i32>} : memref<512xi32, #tpu.memory_space<vmem>>, vector<16xi32>,
    %get3A_414 = arith.constant 176 : index
    %get3A_415 = tpu.vector_load %arg7[%get3A_414] {strides = array<i32>} : memref<512xi32, #tpu.memory_space<vmem>>, vector<16xi32>,
    %shift_right_arithmetic3A_416 = arith.constant 3 : i32
    %shift_right_arithmetic3A_417 = vector.broadcast %shift_right_arithmetic3A_416 : i32 to vector<16xi32>
    %shift_right_arithmetic3A_418 = arith.shrsi %get3A_413, %shift_right_arithmetic3A_417 : vector<16xi32>
    %shift_left3A_419 = arith.constant 16 : i32
    %shift_left3A_420 = vector.broadcast %shift_left3A_419 : i32 to vector<16xi32>
    %shift_left3A_421 = arith.shli %shift_right_arithmetic3A_418, %shift_left3A_420 : vector<16xi32>
    %shift_right_arithmetic3A_422 = arith.constant 7 : i32
    %shift_right_arithmetic3A_423 = vector.broadcast %shift_right_arithmetic3A_422 : i32 to vector<16xi32>
    %shift_right_arithmetic3A_424 = arith.shrsi %get3A_415, %shift_right_arithmetic3A_423 : vector<16xi32>
    %shift_left3A_425 = arith.constant 10 : i32
    %shift_left3A_426 = vector.broadcast %shift_left3A_425 : i32 to vector<16xi32>
    %shift_left3A_427 = arith.shli %shift_right_arithmetic3A_424, %shift_left3A_426 : vector<16xi32>
    %add3A_428 = arith.addi %shift_left3A_421, %shift_left3A_427 : vector<16xi32>
    %and3A_429 = arith.constant 7 : i32
    %and3A_430 = vector.broadcast %and3A_429 : i32 to vector<16xi32>
    %and3A_431 = arith.andi %get3A_413, %and3A_430 : vector<16xi32>
    %shift_left3A_432 = arith.constant 7 : i32
    %shift_left3A_433 = vector.broadcast %shift_left3A_432 : i32 to vector<16xi32>
    %shift_left3A_434 = arith.shli %and3A_431, %shift_left3A_433 : vector<16xi32>
    %add3A_435 = arith.addi %add3A_428, %shift_left3A_434 : vector<16xi32>
    %and3A_436 = arith.constant 127 : i32
    %and3A_437 = vector.broadcast %and3A_436 : i32 to vector<16xi32>
    %and3A_438 = arith.andi %get3A_415, %and3A_437 : vector<16xi32>
    %add3A_439 = arith.addi %add3A_435, %and3A_438 : vector<16xi32>
    %swap3A_440 = arith.constant 176 : index
    %swap3A_441 = tpu.vector_load %arg8[%swap3A_440] {strides = array<i32>} : memref<512xi32, #tpu.memory_space<vmem>>, vector<16xi32>,
    tpu.vector_store %arg8[%swap3A_440], %add3A_439 {strides = array<i32>} : memref<512xi32, #tpu.memory_space<vmem>>, vector<16xi32>,
    %get3A_442 = arith.constant 192 : index
    %get3A_443 = tpu.vector_load %arg6[%get3A_442] {strides = array<i32>} : memref<512xi32, #tpu.memory_space<vmem>>, vector<16xi32>,
    %get3A_444 = arith.constant 192 : index
    %get3A_445 = tpu.vector_load %arg7[%get3A_444] {strides = array<i32>} : memref<512xi32, #tpu.memory_space<vmem>>, vector<16xi32>,
    %shift_right_arithmetic3A_446 = arith.constant 3 : i32
    %shift_right_arithmetic3A_447 = vector.broadcast %shift_right_arithmetic3A_446 : i32 to vector<16xi32>
    %shift_right_arithmetic3A_448 = arith.shrsi %get3A_443, %shift_right_arithmetic3A_447 : vector<16xi32>
    %shift_left3A_449 = arith.constant 16 : i32
    %shift_left3A_450 = vector.broadcast %shift_left3A_449 : i32 to vector<16xi32>
    %shift_left3A_451 = arith.shli %shift_right_arithmetic3A_448, %shift_left3A_450 : vector<16xi32>
    %shift_right_arithmetic3A_452 = arith.constant 7 : i32
    %shift_right_arithmetic3A_453 = vector.broadcast %shift_right_arithmetic3A_452 : i32 to vector<16xi32>
    %shift_right_arithmetic3A_454 = arith.shrsi %get3A_445, %shift_right_arithmetic3A_453 : vector<16xi32>
    %shift_left3A_455 = arith.constant 10 : i32
    %shift_left3A_456 = vector.broadcast %shift_left3A_455 : i32 to vector<16xi32>
    %shift_left3A_457 = arith.shli %shift_right_arithmetic3A_454, %shift_left3A_456 : vector<16xi32>
    %add3A_458 = arith.addi %shift_left3A_451, %shift_left3A_457 : vector<16xi32>
    %and3A_459 = arith.constant 7 : i32
    %and3A_460 = vector.broadcast %and3A_459 : i32 to vector<16xi32>
    %and3A_461 = arith.andi %get3A_443, %and3A_460 : vector<16xi32>
    %shift_left3A_462 = arith.constant 7 : i32
    %shift_left3A_463 = vector.broadcast %shift_left3A_462 : i32 to vector<16xi32>
    %shift_left3A_464 = arith.shli %and3A_461, %shift_left3A_463 : vector<16xi32>
    %add3A_465 = arith.addi %add3A_458, %shift_left3A_464 : vector<16xi32>
    %and3A_466 = arith.constant 127 : i32
    %and3A_467 = vector.broadcast %and3A_466 : i32 to vector<16xi32>
    %and3A_468 = arith.andi %get3A_445, %and3A_467 : vector<16xi32>
    %add3A_469 = arith.addi %add3A_465, %and3A_468 : vector<16xi32>
    %swap3A_470 = arith.constant 192 : index
    %swap3A_471 = tpu.vector_load %arg8[%swap3A_470] {strides = array<i32>} : memref<512xi32, #tpu.memory_space<vmem>>, vector<16xi32>,
    tpu.vector_store %arg8[%swap3A_470], %add3A_469 {strides = array<i32>} : memref<512xi32, #tpu.memory_space<vmem>>, vector<16xi32>,
    %get3A_472 = arith.constant 208 : index
    %get3A_473 = tpu.vector_load %arg6[%get3A_472] {strides = array<i32>} : memref<512xi32, #tpu.memory_space<vmem>>, vector<16xi32>,
    %get3A_474 = arith.constant 208 : index
    %get3A_475 = tpu.vector_load %arg7[%get3A_474] {strides = array<i32>} : memref<512xi32, #tpu.memory_space<vmem>>, vector<16xi32>,
    %shift_right_arithmetic3A_476 = arith.constant 3 : i32
    %shift_right_arithmetic3A_477 = vector.broadcast %shift_right_arithmetic3A_476 : i32 to vector<16xi32>
    %shift_right_arithmetic3A_478 = arith.shrsi %get3A_473, %shift_right_arithmetic3A_477 : vector<16xi32>
    %shift_left3A_479 = arith.constant 16 : i32
    %shift_left3A_480 = vector.broadcast %shift_left3A_479 : i32 to vector<16xi32>
    %shift_left3A_481 = arith.shli %shift_right_arithmetic3A_478, %shift_left3A_480 : vector<16xi32>
    %shift_right_arithmetic3A_482 = arith.constant 7 : i32
    %shift_right_arithmetic3A_483 = vector.broadcast %shift_right_arithmetic3A_482 : i32 to vector<16xi32>
    %shift_right_arithmetic3A_484 = arith.shrsi %get3A_475, %shift_right_arithmetic3A_483 : vector<16xi32>
    %shift_left3A_485 = arith.constant 10 : i32
    %shift_left3A_486 = vector.broadcast %shift_left3A_485 : i32 to vector<16xi32>
    %shift_left3A_487 = arith.shli %shift_right_arithmetic3A_484, %shift_left3A_486 : vector<16xi32>
    %add3A_488 = arith.addi %shift_left3A_481, %shift_left3A_487 : vector<16xi32>
    %and3A_489 = arith.constant 7 : i32
    %and3A_490 = vector.broadcast %and3A_489 : i32 to vector<16xi32>
    %and3A_491 = arith.andi %get3A_473, %and3A_490 : vector<16xi32>
    %shift_left3A_492 = arith.constant 7 : i32
    %shift_left3A_493 = vector.broadcast %shift_left3A_492 : i32 to vector<16xi32>
    %shift_left3A_494 = arith.shli %and3A_491, %shift_left3A_493 : vector<16xi32>
    %add3A_495 = arith.addi %add3A_488, %shift_left3A_494 : vector<16xi32>
    %and3A_496 = arith.constant 127 : i32
    %and3A_497 = vector.broadcast %and3A_496 : i32 to vector<16xi32>
    %and3A_498 = arith.andi %get3A_475, %and3A_497 : vector<16xi32>
    %add3A_499 = arith.addi %add3A_495, %and3A_498 : vector<16xi32>
    %swap3A_500 = arith.constant 208 : index
    %swap3A_501 = tpu.vector_load %arg8[%swap3A_500] {strides = array<i32>} : memref<512xi32, #tpu.memory_space<vmem>>, vector<16xi32>,
    tpu.vector_store %arg8[%swap3A_500], %add3A_499 {strides = array<i32>} : memref<512xi32, #tpu.memory_space<vmem>>, vector<16xi32>,
    %get3A_502 = arith.constant 224 : index
    %get3A_503 = tpu.vector_load %arg6[%get3A_502] {strides = array<i32>} : memref<512xi32, #tpu.memory_space<vmem>>, vector<16xi32>,
    %get3A_504 = arith.constant 224 : index
    %get3A_505 = tpu.vector_load %arg7[%get3A_504] {strides = array<i32>} : memref<512xi32, #tpu.memory_space<vmem>>, vector<16xi32>,
    %shift_right_arithmetic3A_506 = arith.constant 3 : i32
    %shift_right_arithmetic3A_507 = vector.broadcast %shift_right_arithmetic3A_506 : i32 to vector<16xi32>
    %shift_right_arithmetic3A_508 = arith.shrsi %get3A_503, %shift_right_arithmetic3A_507 : vector<16xi32>
    %shift_left3A_509 = arith.constant 16 : i32
    %shift_left3A_510 = vector.broadcast %shift_left3A_509 : i32 to vector<16xi32>
    %shift_left3A_511 = arith.shli %shift_right_arithmetic3A_508, %shift_left3A_510 : vector<16xi32>
    %shift_right_arithmetic3A_512 = arith.constant 7 : i32
    %shift_right_arithmetic3A_513 = vector.broadcast %shift_right_arithmetic3A_512 : i32 to vector<16xi32>
    %shift_right_arithmetic3A_514 = arith.shrsi %get3A_505, %shift_right_arithmetic3A_513 : vector<16xi32>
    %shift_left3A_515 = arith.constant 10 : i32
    %shift_left3A_516 = vector.broadcast %shift_left3A_515 : i32 to vector<16xi32>
    %shift_left3A_517 = arith.shli %shift_right_arithmetic3A_514, %shift_left3A_516 : vector<16xi32>
    %add3A_518 = arith.addi %shift_left3A_511, %shift_left3A_517 : vector<16xi32>
    %and3A_519 = arith.constant 7 : i32
    %and3A_520 = vector.broadcast %and3A_519 : i32 to vector<16xi32>
    %and3A_521 = arith.andi %get3A_503, %and3A_520 : vector<16xi32>
    %shift_left3A_522 = arith.constant 7 : i32
    %shift_left3A_523 = vector.broadcast %shift_left3A_522 : i32 to vector<16xi32>
    %shift_left3A_524 = arith.shli %and3A_521, %shift_left3A_523 : vector<16xi32>
    %add3A_525 = arith.addi %add3A_518, %shift_left3A_524 : vector<16xi32>
    %and3A_526 = arith.constant 127 : i32
    %and3A_527 = vector.broadcast %and3A_526 : i32 to vector<16xi32>
    %and3A_528 = arith.andi %get3A_505, %and3A_527 : vector<16xi32>
    %add3A_529 = arith.addi %add3A_525, %and3A_528 : vector<16xi32>
    %swap3A_530 = arith.constant 224 : index
    %swap3A_531 = tpu.vector_load %arg8[%swap3A_530] {strides = array<i32>} : memref<512xi32, #tpu.memory_space<vmem>>, vector<16xi32>,
    tpu.vector_store %arg8[%swap3A_530], %add3A_529 {strides = array<i32>} : memref<512xi32, #tpu.memory_space<vmem>>, vector<16xi32>,
    %get3A_532 = arith.constant 240 : index
    %get3A_533 = tpu.vector_load %arg6[%get3A_532] {strides = array<i32>} : memref<512xi32, #tpu.memory_space<vmem>>, vector<16xi32>,
    %get3A_534 = arith.constant 240 : index
    %get3A_535 = tpu.vector_load %arg7[%get3A_534] {strides = array<i32>} : memref<512xi32, #tpu.memory_space<vmem>>, vector<16xi32>,
    %shift_right_arithmetic3A_536 = arith.constant 3 : i32
    %shift_right_arithmetic3A_537 = vector.broadcast %shift_right_arithmetic3A_536 : i32 to vector<16xi32>
    %shift_right_arithmetic3A_538 = arith.shrsi %get3A_533, %shift_right_arithmetic3A_537 : vector<16xi32>
    %shift_left3A_539 = arith.constant 16 : i32
    %shift_left3A_540 = vector.broadcast %shift_left3A_539 : i32 to vector<16xi32>
    %shift_left3A_541 = arith.shli %shift_right_arithmetic3A_538, %shift_left3A_540 : vector<16xi32>
    %shift_right_arithmetic3A_542 = arith.constant 7 : i32
    %shift_right_arithmetic3A_543 = vector.broadcast %shift_right_arithmetic3A_542 : i32 to vector<16xi32>
    %shift_right_arithmetic3A_544 = arith.shrsi %get3A_535, %shift_right_arithmetic3A_543 : vector<16xi32>
    %shift_left3A_545 = arith.constant 10 : i32
    %shift_left3A_546 = vector.broadcast %shift_left3A_545 : i32 to vector<16xi32>
    %shift_left3A_547 = arith.shli %shift_right_arithmetic3A_544, %shift_left3A_546 : vector<16xi32>
    %add3A_548 = arith.addi %shift_left3A_541, %shift_left3A_547 : vector<16xi32>
    %and3A_549 = arith.constant 7 : i32
    %and3A_550 = vector.broadcast %and3A_549 : i32 to vector<16xi32>
    %and3A_551 = arith.andi %get3A_533, %and3A_550 : vector<16xi32>
    %shift_left3A_552 = arith.constant 7 : i32
    %shift_left3A_553 = vector.broadcast %shift_left3A_552 : i32 to vector<16xi32>
    %shift_left3A_554 = arith.shli %and3A_551, %shift_left3A_553 : vector<16xi32>
    %add3A_555 = arith.addi %add3A_548, %shift_left3A_554 : vector<16xi32>
    %and3A_556 = arith.constant 127 : i32
    %and3A_557 = vector.broadcast %and3A_556 : i32 to vector<16xi32>
    %and3A_558 = arith.andi %get3A_535, %and3A_557 : vector<16xi32>
    %add3A_559 = arith.addi %add3A_555, %and3A_558 : vector<16xi32>
    %swap3A_560 = arith.constant 240 : index
    %swap3A_561 = tpu.vector_load %arg8[%swap3A_560] {strides = array<i32>} : memref<512xi32, #tpu.memory_space<vmem>>, vector<16xi32>,
    tpu.vector_store %arg8[%swap3A_560], %add3A_559 {strides = array<i32>} : memref<512xi32, #tpu.memory_space<vmem>>, vector<16xi32>,
    %dma_start3A_562 = arith.constant 128 : i32
    %dma_start3A_563 = tpu.memref_slice %arg9[%dma_start3A_562] : memref<512xf32, #tpu.memory_space<vmem>> -> memref<128xf32, #tpu.memory_space<vmem>>
    %dma_start3A_564 = arith.constant 128 : i32
    %dma_start3A_565 = tpu.memref_slice %arg8[%dma_start3A_564] : memref<512xi32, #tpu.memory_space<vmem>> -> memref<128xi32, #tpu.memory_space<vmem>>
    %dma_start3A_566 = arith.constant 0 : i32
    %dma_start3A_567 = tpu.memref_slice %arg2[%dma_start3A_566] : memref<67108864xf32, #tpu.memory_space<hbm>> -> memref<67108864xf32, #tpu.memory_space<hbm>>
    tpu.enqueue_indirect_dma source(%dma_start3A_567 : memref<67108864xf32, #tpu.memory_space<hbm>>) target(%dma_start3A_563 : memref<128xf32, #tpu.memory_space<vmem>>) offsets(%dma_start3A_565 : memref<128xi32, #tpu.memory_space<vmem>>) semaphore(%arg15 : memref<!tpu.dma_semaphore, #tpu.memory_space<semaphore_mem>>)
    %dma_wait3A_568 = arith.constant 256 : i32
    %dma_wait3A_569 = tpu.memref_slice %arg6[%dma_wait3A_568] : memref<512xi32, #tpu.memory_space<vmem>> -> memref<128xi32, #tpu.memory_space<vmem>>
    %dma_wait3A_570 = tpu.memref_slice %arg3[%add3A_31] : memref<16384xi32, #tpu.memory_space<hbm>> -> memref<128xi32, #tpu.memory_space<hbm>>
    %dma_wait3A_571 = arith.constant 256 : i32
    %dma_wait3A_572 = tpu.memref_slice %arg6[%dma_wait3A_571] : memref<512xi32, #tpu.memory_space<vmem>> -> memref<128xi32, #tpu.memory_space<vmem>>
    %dma_wait3A_573 = tpu.memref_slice %arg3[%add3A_31] : memref<16384xi32, #tpu.memory_space<hbm>> -> memref<128xi32, #tpu.memory_space<hbm>>
    tpu.wait_dma2 semaphore(%arg12 : memref<!tpu.dma_semaphore, #tpu.memory_space<semaphore_mem>>) src(%dma_wait3A_573 : memref<128xi32, #tpu.memory_space<hbm>>) dst(%dma_wait3A_572 : memref<128xi32, #tpu.memory_space<vmem>>)
    %dma_wait3A_574 = arith.constant 256 : i32
    %dma_wait3A_575 = tpu.memref_slice %arg7[%dma_wait3A_574] : memref<512xi32, #tpu.memory_space<vmem>> -> memref<128xi32, #tpu.memory_space<vmem>>
    %dma_wait3A_576 = tpu.memref_slice %arg4[%add3A_31] : memref<16384xi32, #tpu.memory_space<hbm>> -> memref<128xi32, #tpu.memory_space<hbm>>
    %dma_wait3A_577 = arith.constant 256 : i32
    %dma_wait3A_578 = tpu.memref_slice %arg7[%dma_wait3A_577] : memref<512xi32, #tpu.memory_space<vmem>> -> memref<128xi32, #tpu.memory_space<vmem>>
    %dma_wait3A_579 = tpu.memref_slice %arg4[%add3A_31] : memref<16384xi32, #tpu.memory_space<hbm>> -> memref<128xi32, #tpu.memory_space<hbm>>
    tpu.wait_dma2 semaphore(%arg12 : memref<!tpu.dma_semaphore, #tpu.memory_space<semaphore_mem>>) src(%dma_wait3A_579 : memref<128xi32, #tpu.memory_space<hbm>>) dst(%dma_wait3A_578 : memref<128xi32, #tpu.memory_space<vmem>>)
    %get3A_580 = arith.constant 256 : index
    %get3A_581 = tpu.vector_load %arg6[%get3A_580] {strides = array<i32>} : memref<512xi32, #tpu.memory_space<vmem>>, vector<16xi32>,
    %get3A_582 = arith.constant 256 : index
    %get3A_583 = tpu.vector_load %arg7[%get3A_582] {strides = array<i32>} : memref<512xi32, #tpu.memory_space<vmem>>, vector<16xi32>,
    %shift_right_arithmetic3A_584 = arith.constant 3 : i32
    %shift_right_arithmetic3A_585 = vector.broadcast %shift_right_arithmetic3A_584 : i32 to vector<16xi32>
    %shift_right_arithmetic3A_586 = arith.shrsi %get3A_581, %shift_right_arithmetic3A_585 : vector<16xi32>
    %shift_left3A_587 = arith.constant 16 : i32
    %shift_left3A_588 = vector.broadcast %shift_left3A_587 : i32 to vector<16xi32>
    %shift_left3A_589 = arith.shli %shift_right_arithmetic3A_586, %shift_left3A_588 : vector<16xi32>
    %shift_right_arithmetic3A_590 = arith.constant 7 : i32
    %shift_right_arithmetic3A_591 = vector.broadcast %shift_right_arithmetic3A_590 : i32 to vector<16xi32>
    %shift_right_arithmetic3A_592 = arith.shrsi %get3A_583, %shift_right_arithmetic3A_591 : vector<16xi32>
    %shift_left3A_593 = arith.constant 10 : i32
    %shift_left3A_594 = vector.broadcast %shift_left3A_593 : i32 to vector<16xi32>
    %shift_left3A_595 = arith.shli %shift_right_arithmetic3A_592, %shift_left3A_594 : vector<16xi32>
    %add3A_596 = arith.addi %shift_left3A_589, %shift_left3A_595 : vector<16xi32>
    %and3A_597 = arith.constant 7 : i32
    %and3A_598 = vector.broadcast %and3A_597 : i32 to vector<16xi32>
    %and3A_599 = arith.andi %get3A_581, %and3A_598 : vector<16xi32>
    %shift_left3A_600 = arith.constant 7 : i32
    %shift_left3A_601 = vector.broadcast %shift_left3A_600 : i32 to vector<16xi32>
    %shift_left3A_602 = arith.shli %and3A_599, %shift_left3A_601 : vector<16xi32>
    %add3A_603 = arith.addi %add3A_596, %shift_left3A_602 : vector<16xi32>
    %and3A_604 = arith.constant 127 : i32
    %and3A_605 = vector.broadcast %and3A_604 : i32 to vector<16xi32>
    %and3A_606 = arith.andi %get3A_583, %and3A_605 : vector<16xi32>
    %add3A_607 = arith.addi %add3A_603, %and3A_606 : vector<16xi32>
    %swap3A_608 = arith.constant 256 : index
    %swap3A_609 = tpu.vector_load %arg8[%swap3A_608] {strides = array<i32>} : memref<512xi32, #tpu.memory_space<vmem>>, vector<16xi32>,
    tpu.vector_store %arg8[%swap3A_608], %add3A_607 {strides = array<i32>} : memref<512xi32, #tpu.memory_space<vmem>>, vector<16xi32>,
    %get3A_610 = arith.constant 272 : index
    %get3A_611 = tpu.vector_load %arg6[%get3A_610] {strides = array<i32>} : memref<512xi32, #tpu.memory_space<vmem>>, vector<16xi32>,
    %get3A_612 = arith.constant 272 : index
    %get3A_613 = tpu.vector_load %arg7[%get3A_612] {strides = array<i32>} : memref<512xi32, #tpu.memory_space<vmem>>, vector<16xi32>,
    %shift_right_arithmetic3A_614 = arith.constant 3 : i32
    %shift_right_arithmetic3A_615 = vector.broadcast %shift_right_arithmetic3A_614 : i32 to vector<16xi32>
    %shift_right_arithmetic3A_616 = arith.shrsi %get3A_611, %shift_right_arithmetic3A_615 : vector<16xi32>
    %shift_left3A_617 = arith.constant 16 : i32
    %shift_left3A_618 = vector.broadcast %shift_left3A_617 : i32 to vector<16xi32>
    %shift_left3A_619 = arith.shli %shift_right_arithmetic3A_616, %shift_left3A_618 : vector<16xi32>
    %shift_right_arithmetic3A_620 = arith.constant 7 : i32
    %shift_right_arithmetic3A_621 = vector.broadcast %shift_right_arithmetic3A_620 : i32 to vector<16xi32>
    %shift_right_arithmetic3A_622 = arith.shrsi %get3A_613, %shift_right_arithmetic3A_621 : vector<16xi32>
    %shift_left3A_623 = arith.constant 10 : i32
    %shift_left3A_624 = vector.broadcast %shift_left3A_623 : i32 to vector<16xi32>
    %shift_left3A_625 = arith.shli %shift_right_arithmetic3A_622, %shift_left3A_624 : vector<16xi32>
    %add3A_626 = arith.addi %shift_left3A_619, %shift_left3A_625 : vector<16xi32>
    %and3A_627 = arith.constant 7 : i32
    %and3A_628 = vector.broadcast %and3A_627 : i32 to vector<16xi32>
    %and3A_629 = arith.andi %get3A_611, %and3A_628 : vector<16xi32>
    %shift_left3A_630 = arith.constant 7 : i32
    %shift_left3A_631 = vector.broadcast %shift_left3A_630 : i32 to vector<16xi32>
    %shift_left3A_632 = arith.shli %and3A_629, %shift_left3A_631 : vector<16xi32>
    %add3A_633 = arith.addi %add3A_626, %shift_left3A_632 : vector<16xi32>
    %and3A_634 = arith.constant 127 : i32
    %and3A_635 = vector.broadcast %and3A_634 : i32 to vector<16xi32>
    %and3A_636 = arith.andi %get3A_613, %and3A_635 : vector<16xi32>
    %add3A_637 = arith.addi %add3A_633, %and3A_636 : vector<16xi32>
    %swap3A_638 = arith.constant 272 : index
    %swap3A_639 = tpu.vector_load %arg8[%swap3A_638] {strides = array<i32>} : memref<512xi32, #tpu.memory_space<vmem>>, vector<16xi32>,
    tpu.vector_store %arg8[%swap3A_638], %add3A_637 {strides = array<i32>} : memref<512xi32, #tpu.memory_space<vmem>>, vector<16xi32>,
    %get3A_640 = arith.constant 288 : index
    %get3A_641 = tpu.vector_load %arg6[%get3A_640] {strides = array<i32>} : memref<512xi32, #tpu.memory_space<vmem>>, vector<16xi32>,
    %get3A_642 = arith.constant 288 : index
    %get3A_643 = tpu.vector_load %arg7[%get3A_642] {strides = array<i32>} : memref<512xi32, #tpu.memory_space<vmem>>, vector<16xi32>,
    %shift_right_arithmetic3A_644 = arith.constant 3 : i32
    %shift_right_arithmetic3A_645 = vector.broadcast %shift_right_arithmetic3A_644 : i32 to vector<16xi32>
    %shift_right_arithmetic3A_646 = arith.shrsi %get3A_641, %shift_right_arithmetic3A_645 : vector<16xi32>
    %shift_left3A_647 = arith.constant 16 : i32
    %shift_left3A_648 = vector.broadcast %shift_left3A_647 : i32 to vector<16xi32>
    %shift_left3A_649 = arith.shli %shift_right_arithmetic3A_646, %shift_left3A_648 : vector<16xi32>
    %shift_right_arithmetic3A_650 = arith.constant 7 : i32
    %shift_right_arithmetic3A_651 = vector.broadcast %shift_right_arithmetic3A_650 : i32 to vector<16xi32>
    %shift_right_arithmetic3A_652 = arith.shrsi %get3A_643, %shift_right_arithmetic3A_651 : vector<16xi32>
    %shift_left3A_653 = arith.constant 10 : i32
    %shift_left3A_654 = vector.broadcast %shift_left3A_653 : i32 to vector<16xi32>
    %shift_left3A_655 = arith.shli %shift_right_arithmetic3A_652, %shift_left3A_654 : vector<16xi32>
    %add3A_656 = arith.addi %shift_left3A_649, %shift_left3A_655 : vector<16xi32>
    %and3A_657 = arith.constant 7 : i32
    %and3A_658 = vector.broadcast %and3A_657 : i32 to vector<16xi32>
    %and3A_659 = arith.andi %get3A_641, %and3A_658 : vector<16xi32>
    %shift_left3A_660 = arith.constant 7 : i32
    %shift_left3A_661 = vector.broadcast %shift_left3A_660 : i32 to vector<16xi32>
    %shift_left3A_662 = arith.shli %and3A_659, %shift_left3A_661 : vector<16xi32>
    %add3A_663 = arith.addi %add3A_656, %shift_left3A_662 : vector<16xi32>
    %and3A_664 = arith.constant 127 : i32
    %and3A_665 = vector.broadcast %and3A_664 : i32 to vector<16xi32>
    %and3A_666 = arith.andi %get3A_643, %and3A_665 : vector<16xi32>
    %add3A_667 = arith.addi %add3A_663, %and3A_666 : vector<16xi32>
    %swap3A_668 = arith.constant 288 : index
    %swap3A_669 = tpu.vector_load %arg8[%swap3A_668] {strides = array<i32>} : memref<512xi32, #tpu.memory_space<vmem>>, vector<16xi32>,
    tpu.vector_store %arg8[%swap3A_668], %add3A_667 {strides = array<i32>} : memref<512xi32, #tpu.memory_space<vmem>>, vector<16xi32>,
    %get3A_670 = arith.constant 304 : index
    %get3A_671 = tpu.vector_load %arg6[%get3A_670] {strides = array<i32>} : memref<512xi32, #tpu.memory_space<vmem>>, vector<16xi32>,
    %get3A_672 = arith.constant 304 : index
    %get3A_673 = tpu.vector_load %arg7[%get3A_672] {strides = array<i32>} : memref<512xi32, #tpu.memory_space<vmem>>, vector<16xi32>,
    %shift_right_arithmetic3A_674 = arith.constant 3 : i32
    %shift_right_arithmetic3A_675 = vector.broadcast %shift_right_arithmetic3A_674 : i32 to vector<16xi32>
    %shift_right_arithmetic3A_676 = arith.shrsi %get3A_671, %shift_right_arithmetic3A_675 : vector<16xi32>
    %shift_left3A_677 = arith.constant 16 : i32
    %shift_left3A_678 = vector.broadcast %shift_left3A_677 : i32 to vector<16xi32>
    %shift_left3A_679 = arith.shli %shift_right_arithmetic3A_676, %shift_left3A_678 : vector<16xi32>
    %shift_right_arithmetic3A_680 = arith.constant 7 : i32
    %shift_right_arithmetic3A_681 = vector.broadcast %shift_right_arithmetic3A_680 : i32 to vector<16xi32>
    %shift_right_arithmetic3A_682 = arith.shrsi %get3A_673, %shift_right_arithmetic3A_681 : vector<16xi32>
    %shift_left3A_683 = arith.constant 10 : i32
    %shift_left3A_684 = vector.broadcast %shift_left3A_683 : i32 to vector<16xi32>
    %shift_left3A_685 = arith.shli %shift_right_arithmetic3A_682, %shift_left3A_684 : vector<16xi32>
    %add3A_686 = arith.addi %shift_left3A_679, %shift_left3A_685 : vector<16xi32>
    %and3A_687 = arith.constant 7 : i32
    %and3A_688 = vector.broadcast %and3A_687 : i32 to vector<16xi32>
    %and3A_689 = arith.andi %get3A_671, %and3A_688 : vector<16xi32>
    %shift_left3A_690 = arith.constant 7 : i32
    %shift_left3A_691 = vector.broadcast %shift_left3A_690 : i32 to vector<16xi32>
    %shift_left3A_692 = arith.shli %and3A_689, %shift_left3A_691 : vector<16xi32>
    %add3A_693 = arith.addi %add3A_686, %shift_left3A_692 : vector<16xi32>
    %and3A_694 = arith.constant 127 : i32
    %and3A_695 = vector.broadcast %and3A_694 : i32 to vector<16xi32>
    %and3A_696 = arith.andi %get3A_673, %and3A_695 : vector<16xi32>
    %add3A_697 = arith.addi %add3A_693, %and3A_696 : vector<16xi32>
    %swap3A_698 = arith.constant 304 : index
    %swap3A_699 = tpu.vector_load %arg8[%swap3A_698] {strides = array<i32>} : memref<512xi32, #tpu.memory_space<vmem>>, vector<16xi32>,
    tpu.vector_store %arg8[%swap3A_698], %add3A_697 {strides = array<i32>} : memref<512xi32, #tpu.memory_space<vmem>>, vector<16xi32>,
    %get3A_700 = arith.constant 320 : index
    %get3A_701 = tpu.vector_load %arg6[%get3A_700] {strides = array<i32>} : memref<512xi32, #tpu.memory_space<vmem>>, vector<16xi32>,
    %get3A_702 = arith.constant 320 : index
    %get3A_703 = tpu.vector_load %arg7[%get3A_702] {strides = array<i32>} : memref<512xi32, #tpu.memory_space<vmem>>, vector<16xi32>,
    %shift_right_arithmetic3A_704 = arith.constant 3 : i32
    %shift_right_arithmetic3A_705 = vector.broadcast %shift_right_arithmetic3A_704 : i32 to vector<16xi32>
    %shift_right_arithmetic3A_706 = arith.shrsi %get3A_701, %shift_right_arithmetic3A_705 : vector<16xi32>
    %shift_left3A_707 = arith.constant 16 : i32
    %shift_left3A_708 = vector.broadcast %shift_left3A_707 : i32 to vector<16xi32>
    %shift_left3A_709 = arith.shli %shift_right_arithmetic3A_706, %shift_left3A_708 : vector<16xi32>
    %shift_right_arithmetic3A_710 = arith.constant 7 : i32
    %shift_right_arithmetic3A_711 = vector.broadcast %shift_right_arithmetic3A_710 : i32 to vector<16xi32>
    %shift_right_arithmetic3A_712 = arith.shrsi %get3A_703, %shift_right_arithmetic3A_711 : vector<16xi32>
    %shift_left3A_713 = arith.constant 10 : i32
    %shift_left3A_714 = vector.broadcast %shift_left3A_713 : i32 to vector<16xi32>
    %shift_left3A_715 = arith.shli %shift_right_arithmetic3A_712, %shift_left3A_714 : vector<16xi32>
    %add3A_716 = arith.addi %shift_left3A_709, %shift_left3A_715 : vector<16xi32>
    %and3A_717 = arith.constant 7 : i32
    %and3A_718 = vector.broadcast %and3A_717 : i32 to vector<16xi32>
    %and3A_719 = arith.andi %get3A_701, %and3A_718 : vector<16xi32>
    %shift_left3A_720 = arith.constant 7 : i32
    %shift_left3A_721 = vector.broadcast %shift_left3A_720 : i32 to vector<16xi32>
    %shift_left3A_722 = arith.shli %and3A_719, %shift_left3A_721 : vector<16xi32>
    %add3A_723 = arith.addi %add3A_716, %shift_left3A_722 : vector<16xi32>
    %and3A_724 = arith.constant 127 : i32
    %and3A_725 = vector.broadcast %and3A_724 : i32 to vector<16xi32>
    %and3A_726 = arith.andi %get3A_703, %and3A_725 : vector<16xi32>
    %add3A_727 = arith.addi %add3A_723, %and3A_726 : vector<16xi32>
    %swap3A_728 = arith.constant 320 : index
    %swap3A_729 = tpu.vector_load %arg8[%swap3A_728] {strides = array<i32>} : memref<512xi32, #tpu.memory_space<vmem>>, vector<16xi32>,
    tpu.vector_store %arg8[%swap3A_728], %add3A_727 {strides = array<i32>} : memref<512xi32, #tpu.memory_space<vmem>>, vector<16xi32>,
    %get3A_730 = arith.constant 336 : index
    %get3A_731 = tpu.vector_load %arg6[%get3A_730] {strides = array<i32>} : memref<512xi32, #tpu.memory_space<vmem>>, vector<16xi32>,
    %get3A_732 = arith.constant 336 : index
    %get3A_733 = tpu.vector_load %arg7[%get3A_732] {strides = array<i32>} : memref<512xi32, #tpu.memory_space<vmem>>, vector<16xi32>,
    %shift_right_arithmetic3A_734 = arith.constant 3 : i32
    %shift_right_arithmetic3A_735 = vector.broadcast %shift_right_arithmetic3A_734 : i32 to vector<16xi32>
    %shift_right_arithmetic3A_736 = arith.shrsi %get3A_731, %shift_right_arithmetic3A_735 : vector<16xi32>
    %shift_left3A_737 = arith.constant 16 : i32
    %shift_left3A_738 = vector.broadcast %shift_left3A_737 : i32 to vector<16xi32>
    %shift_left3A_739 = arith.shli %shift_right_arithmetic3A_736, %shift_left3A_738 : vector<16xi32>
    %shift_right_arithmetic3A_740 = arith.constant 7 : i32
    %shift_right_arithmetic3A_741 = vector.broadcast %shift_right_arithmetic3A_740 : i32 to vector<16xi32>
    %shift_right_arithmetic3A_742 = arith.shrsi %get3A_733, %shift_right_arithmetic3A_741 : vector<16xi32>
    %shift_left3A_743 = arith.constant 10 : i32
    %shift_left3A_744 = vector.broadcast %shift_left3A_743 : i32 to vector<16xi32>
    %shift_left3A_745 = arith.shli %shift_right_arithmetic3A_742, %shift_left3A_744 : vector<16xi32>
    %add3A_746 = arith.addi %shift_left3A_739, %shift_left3A_745 : vector<16xi32>
    %and3A_747 = arith.constant 7 : i32
    %and3A_748 = vector.broadcast %and3A_747 : i32 to vector<16xi32>
    %and3A_749 = arith.andi %get3A_731, %and3A_748 : vector<16xi32>
    %shift_left3A_750 = arith.constant 7 : i32
    %shift_left3A_751 = vector.broadcast %shift_left3A_750 : i32 to vector<16xi32>
    %shift_left3A_752 = arith.shli %and3A_749, %shift_left3A_751 : vector<16xi32>
    %add3A_753 = arith.addi %add3A_746, %shift_left3A_752 : vector<16xi32>
    %and3A_754 = arith.constant 127 : i32
    %and3A_755 = vector.broadcast %and3A_754 : i32 to vector<16xi32>
    %and3A_756 = arith.andi %get3A_733, %and3A_755 : vector<16xi32>
    %add3A_757 = arith.addi %add3A_753, %and3A_756 : vector<16xi32>
    %swap3A_758 = arith.constant 336 : index
    %swap3A_759 = tpu.vector_load %arg8[%swap3A_758] {strides = array<i32>} : memref<512xi32, #tpu.memory_space<vmem>>, vector<16xi32>,
    tpu.vector_store %arg8[%swap3A_758], %add3A_757 {strides = array<i32>} : memref<512xi32, #tpu.memory_space<vmem>>, vector<16xi32>,
    %get3A_760 = arith.constant 352 : index
    %get3A_761 = tpu.vector_load %arg6[%get3A_760] {strides = array<i32>} : memref<512xi32, #tpu.memory_space<vmem>>, vector<16xi32>,
    %get3A_762 = arith.constant 352 : index
    %get3A_763 = tpu.vector_load %arg7[%get3A_762] {strides = array<i32>} : memref<512xi32, #tpu.memory_space<vmem>>, vector<16xi32>,
    %shift_right_arithmetic3A_764 = arith.constant 3 : i32
    %shift_right_arithmetic3A_765 = vector.broadcast %shift_right_arithmetic3A_764 : i32 to vector<16xi32>
    %shift_right_arithmetic3A_766 = arith.shrsi %get3A_761, %shift_right_arithmetic3A_765 : vector<16xi32>
    %shift_left3A_767 = arith.constant 16 : i32
    %shift_left3A_768 = vector.broadcast %shift_left3A_767 : i32 to vector<16xi32>
    %shift_left3A_769 = arith.shli %shift_right_arithmetic3A_766, %shift_left3A_768 : vector<16xi32>
    %shift_right_arithmetic3A_770 = arith.constant 7 : i32
    %shift_right_arithmetic3A_771 = vector.broadcast %shift_right_arithmetic3A_770 : i32 to vector<16xi32>
    %shift_right_arithmetic3A_772 = arith.shrsi %get3A_763, %shift_right_arithmetic3A_771 : vector<16xi32>
    %shift_left3A_773 = arith.constant 10 : i32
    %shift_left3A_774 = vector.broadcast %shift_left3A_773 : i32 to vector<16xi32>
    %shift_left3A_775 = arith.shli %shift_right_arithmetic3A_772, %shift_left3A_774 : vector<16xi32>
    %add3A_776 = arith.addi %shift_left3A_769, %shift_left3A_775 : vector<16xi32>
    %and3A_777 = arith.constant 7 : i32
    %and3A_778 = vector.broadcast %and3A_777 : i32 to vector<16xi32>
    %and3A_779 = arith.andi %get3A_761, %and3A_778 : vector<16xi32>
    %shift_left3A_780 = arith.constant 7 : i32
    %shift_left3A_781 = vector.broadcast %shift_left3A_780 : i32 to vector<16xi32>
    %shift_left3A_782 = arith.shli %and3A_779, %shift_left3A_781 : vector<16xi32>
    %add3A_783 = arith.addi %add3A_776, %shift_left3A_782 : vector<16xi32>
    %and3A_784 = arith.constant 127 : i32
    %and3A_785 = vector.broadcast %and3A_784 : i32 to vector<16xi32>
    %and3A_786 = arith.andi %get3A_763, %and3A_785 : vector<16xi32>
    %add3A_787 = arith.addi %add3A_783, %and3A_786 : vector<16xi32>
    %swap3A_788 = arith.constant 352 : index
    %swap3A_789 = tpu.vector_load %arg8[%swap3A_788] {strides = array<i32>} : memref<512xi32, #tpu.memory_space<vmem>>, vector<16xi32>,
    tpu.vector_store %arg8[%swap3A_788], %add3A_787 {strides = array<i32>} : memref<512xi32, #tpu.memory_space<vmem>>, vector<16xi32>,
    %get3A_790 = arith.constant 368 : index
    %get3A_791 = tpu.vector_load %arg6[%get3A_790] {strides = array<i32>} : memref<512xi32, #tpu.memory_space<vmem>>, vector<16xi32>,
    %get3A_792 = arith.constant 368 : index
    %get3A_793 = tpu.vector_load %arg7[%get3A_792] {strides = array<i32>} : memref<512xi32, #tpu.memory_space<vmem>>, vector<16xi32>,
    %shift_right_arithmetic3A_794 = arith.constant 3 : i32
    %shift_right_arithmetic3A_795 = vector.broadcast %shift_right_arithmetic3A_794 : i32 to vector<16xi32>
    %shift_right_arithmetic3A_796 = arith.shrsi %get3A_791, %shift_right_arithmetic3A_795 : vector<16xi32>
    %shift_left3A_797 = arith.constant 16 : i32
    %shift_left3A_798 = vector.broadcast %shift_left3A_797 : i32 to vector<16xi32>
    %shift_left3A_799 = arith.shli %shift_right_arithmetic3A_796, %shift_left3A_798 : vector<16xi32>
    %shift_right_arithmetic3A_800 = arith.constant 7 : i32
    %shift_right_arithmetic3A_801 = vector.broadcast %shift_right_arithmetic3A_800 : i32 to vector<16xi32>
    %shift_right_arithmetic3A_802 = arith.shrsi %get3A_793, %shift_right_arithmetic3A_801 : vector<16xi32>
    %shift_left3A_803 = arith.constant 10 : i32
    %shift_left3A_804 = vector.broadcast %shift_left3A_803 : i32 to vector<16xi32>
    %shift_left3A_805 = arith.shli %shift_right_arithmetic3A_802, %shift_left3A_804 : vector<16xi32>
    %add3A_806 = arith.addi %shift_left3A_799, %shift_left3A_805 : vector<16xi32>
    %and3A_807 = arith.constant 7 : i32
    %and3A_808 = vector.broadcast %and3A_807 : i32 to vector<16xi32>
    %and3A_809 = arith.andi %get3A_791, %and3A_808 : vector<16xi32>
    %shift_left3A_810 = arith.constant 7 : i32
    %shift_left3A_811 = vector.broadcast %shift_left3A_810 : i32 to vector<16xi32>
    %shift_left3A_812 = arith.shli %and3A_809, %shift_left3A_811 : vector<16xi32>
    %add3A_813 = arith.addi %add3A_806, %shift_left3A_812 : vector<16xi32>
    %and3A_814 = arith.constant 127 : i32
    %and3A_815 = vector.broadcast %and3A_814 : i32 to vector<16xi32>
    %and3A_816 = arith.andi %get3A_793, %and3A_815 : vector<16xi32>
    %add3A_817 = arith.addi %add3A_813, %and3A_816 : vector<16xi32>
    %swap3A_818 = arith.constant 368 : index
    %swap3A_819 = tpu.vector_load %arg8[%swap3A_818] {strides = array<i32>} : memref<512xi32, #tpu.memory_space<vmem>>, vector<16xi32>,
    tpu.vector_store %arg8[%swap3A_818], %add3A_817 {strides = array<i32>} : memref<512xi32, #tpu.memory_space<vmem>>, vector<16xi32>,
    %dma_start3A_820 = arith.constant 256 : i32
    %dma_start3A_821 = tpu.memref_slice %arg9[%dma_start3A_820] : memref<512xf32, #tpu.memory_space<vmem>> -> memref<128xf32, #tpu.memory_space<vmem>>
    %dma_start3A_822 = arith.constant 256 : i32
    %dma_start3A_823 = tpu.memref_slice %arg8[%dma_start3A_822] : memref<512xi32, #tpu.memory_space<vmem>> -> memref<128xi32, #tpu.memory_space<vmem>>
    %dma_start3A_824 = arith.constant 0 : i32
    %dma_start3A_825 = tpu.memref_slice %arg2[%dma_start3A_824] : memref<67108864xf32, #tpu.memory_space<hbm>> -> memref<67108864xf32, #tpu.memory_space<hbm>>
    tpu.enqueue_indirect_dma source(%dma_start3A_825 : memref<67108864xf32, #tpu.memory_space<hbm>>) target(%dma_start3A_821 : memref<128xf32, #tpu.memory_space<vmem>>) offsets(%dma_start3A_823 : memref<128xi32, #tpu.memory_space<vmem>>) semaphore(%arg16 : memref<!tpu.dma_semaphore, #tpu.memory_space<semaphore_mem>>)
    %dma_wait3A_826 = arith.constant 384 : i32
    %dma_wait3A_827 = tpu.memref_slice %arg6[%dma_wait3A_826] : memref<512xi32, #tpu.memory_space<vmem>> -> memref<128xi32, #tpu.memory_space<vmem>>
    %dma_wait3A_828 = tpu.memref_slice %arg3[%add3A_45] : memref<16384xi32, #tpu.memory_space<hbm>> -> memref<128xi32, #tpu.memory_space<hbm>>
    %dma_wait3A_829 = arith.constant 384 : i32
    %dma_wait3A_830 = tpu.memref_slice %arg6[%dma_wait3A_829] : memref<512xi32, #tpu.memory_space<vmem>> -> memref<128xi32, #tpu.memory_space<vmem>>
    %dma_wait3A_831 = tpu.memref_slice %arg3[%add3A_45] : memref<16384xi32, #tpu.memory_space<hbm>> -> memref<128xi32, #tpu.memory_space<hbm>>
    tpu.wait_dma2 semaphore(%arg13 : memref<!tpu.dma_semaphore, #tpu.memory_space<semaphore_mem>>) src(%dma_wait3A_831 : memref<128xi32, #tpu.memory_space<hbm>>) dst(%dma_wait3A_830 : memref<128xi32, #tpu.memory_space<vmem>>)
    %dma_wait3A_832 = arith.constant 384 : i32
    %dma_wait3A_833 = tpu.memref_slice %arg7[%dma_wait3A_832] : memref<512xi32, #tpu.memory_space<vmem>> -> memref<128xi32, #tpu.memory_space<vmem>>
    %dma_wait3A_834 = tpu.memref_slice %arg4[%add3A_45] : memref<16384xi32, #tpu.memory_space<hbm>> -> memref<128xi32, #tpu.memory_space<hbm>>
    %dma_wait3A_835 = arith.constant 384 : i32
    %dma_wait3A_836 = tpu.memref_slice %arg7[%dma_wait3A_835] : memref<512xi32, #tpu.memory_space<vmem>> -> memref<128xi32, #tpu.memory_space<vmem>>
    %dma_wait3A_837 = tpu.memref_slice %arg4[%add3A_45] : memref<16384xi32, #tpu.memory_space<hbm>> -> memref<128xi32, #tpu.memory_space<hbm>>
    tpu.wait_dma2 semaphore(%arg13 : memref<!tpu.dma_semaphore, #tpu.memory_space<semaphore_mem>>) src(%dma_wait3A_837 : memref<128xi32, #tpu.memory_space<hbm>>) dst(%dma_wait3A_836 : memref<128xi32, #tpu.memory_space<vmem>>)
    %get3A_838 = arith.constant 384 : index
    %get3A_839 = tpu.vector_load %arg6[%get3A_838] {strides = array<i32>} : memref<512xi32, #tpu.memory_space<vmem>>, vector<16xi32>,
    %get3A_840 = arith.constant 384 : index
    %get3A_841 = tpu.vector_load %arg7[%get3A_840] {strides = array<i32>} : memref<512xi32, #tpu.memory_space<vmem>>, vector<16xi32>,
    %shift_right_arithmetic3A_842 = arith.constant 3 : i32
    %shift_right_arithmetic3A_843 = vector.broadcast %shift_right_arithmetic3A_842 : i32 to vector<16xi32>
    %shift_right_arithmetic3A_844 = arith.shrsi %get3A_839, %shift_right_arithmetic3A_843 : vector<16xi32>
    %shift_left3A_845 = arith.constant 16 : i32
    %shift_left3A_846 = vector.broadcast %shift_left3A_845 : i32 to vector<16xi32>
    %shift_left3A_847 = arith.shli %shift_right_arithmetic3A_844, %shift_left3A_846 : vector<16xi32>
    %shift_right_arithmetic3A_848 = arith.constant 7 : i32
    %shift_right_arithmetic3A_849 = vector.broadcast %shift_right_arithmetic3A_848 : i32 to vector<16xi32>
    %shift_right_arithmetic3A_850 = arith.shrsi %get3A_841, %shift_right_arithmetic3A_849 : vector<16xi32>
    %shift_left3A_851 = arith.constant 10 : i32
    %shift_left3A_852 = vector.broadcast %shift_left3A_851 : i32 to vector<16xi32>
    %shift_left3A_853 = arith.shli %shift_right_arithmetic3A_850, %shift_left3A_852 : vector<16xi32>
    %add3A_854 = arith.addi %shift_left3A_847, %shift_left3A_853 : vector<16xi32>
    %and3A_855 = arith.constant 7 : i32
    %and3A_856 = vector.broadcast %and3A_855 : i32 to vector<16xi32>
    %and3A_857 = arith.andi %get3A_839, %and3A_856 : vector<16xi32>
    %shift_left3A_858 = arith.constant 7 : i32
    %shift_left3A_859 = vector.broadcast %shift_left3A_858 : i32 to vector<16xi32>
    %shift_left3A_860 = arith.shli %and3A_857, %shift_left3A_859 : vector<16xi32>
    %add3A_861 = arith.addi %add3A_854, %shift_left3A_860 : vector<16xi32>
    %and3A_862 = arith.constant 127 : i32
    %and3A_863 = vector.broadcast %and3A_862 : i32 to vector<16xi32>
    %and3A_864 = arith.andi %get3A_841, %and3A_863 : vector<16xi32>
    %add3A_865 = arith.addi %add3A_861, %and3A_864 : vector<16xi32>
    %swap3A_866 = arith.constant 384 : index
    %swap3A_867 = tpu.vector_load %arg8[%swap3A_866] {strides = array<i32>} : memref<512xi32, #tpu.memory_space<vmem>>, vector<16xi32>,
    tpu.vector_store %arg8[%swap3A_866], %add3A_865 {strides = array<i32>} : memref<512xi32, #tpu.memory_space<vmem>>, vector<16xi32>,
    %get3A_868 = arith.constant 400 : index
    %get3A_869 = tpu.vector_load %arg6[%get3A_868] {strides = array<i32>} : memref<512xi32, #tpu.memory_space<vmem>>, vector<16xi32>,
    %get3A_870 = arith.constant 400 : index
    %get3A_871 = tpu.vector_load %arg7[%get3A_870] {strides = array<i32>} : memref<512xi32, #tpu.memory_space<vmem>>, vector<16xi32>,
    %shift_right_arithmetic3A_872 = arith.constant 3 : i32
    %shift_right_arithmetic3A_873 = vector.broadcast %shift_right_arithmetic3A_872 : i32 to vector<16xi32>
    %shift_right_arithmetic3A_874 = arith.shrsi %get3A_869, %shift_right_arithmetic3A_873 : vector<16xi32>
    %shift_left3A_875 = arith.constant 16 : i32
    %shift_left3A_876 = vector.broadcast %shift_left3A_875 : i32 to vector<16xi32>
    %shift_left3A_877 = arith.shli %shift_right_arithmetic3A_874, %shift_left3A_876 : vector<16xi32>
    %shift_right_arithmetic3A_878 = arith.constant 7 : i32
    %shift_right_arithmetic3A_879 = vector.broadcast %shift_right_arithmetic3A_878 : i32 to vector<16xi32>
    %shift_right_arithmetic3A_880 = arith.shrsi %get3A_871, %shift_right_arithmetic3A_879 : vector<16xi32>
    %shift_left3A_881 = arith.constant 10 : i32
    %shift_left3A_882 = vector.broadcast %shift_left3A_881 : i32 to vector<16xi32>
    %shift_left3A_883 = arith.shli %shift_right_arithmetic3A_880, %shift_left3A_882 : vector<16xi32>
    %add3A_884 = arith.addi %shift_left3A_877, %shift_left3A_883 : vector<16xi32>
    %and3A_885 = arith.constant 7 : i32
    %and3A_886 = vector.broadcast %and3A_885 : i32 to vector<16xi32>
    %and3A_887 = arith.andi %get3A_869, %and3A_886 : vector<16xi32>
    %shift_left3A_888 = arith.constant 7 : i32
    %shift_left3A_889 = vector.broadcast %shift_left3A_888 : i32 to vector<16xi32>
    %shift_left3A_890 = arith.shli %and3A_887, %shift_left3A_889 : vector<16xi32>
    %add3A_891 = arith.addi %add3A_884, %shift_left3A_890 : vector<16xi32>
    %and3A_892 = arith.constant 127 : i32
    %and3A_893 = vector.broadcast %and3A_892 : i32 to vector<16xi32>
    %and3A_894 = arith.andi %get3A_871, %and3A_893 : vector<16xi32>
    %add3A_895 = arith.addi %add3A_891, %and3A_894 : vector<16xi32>
    %swap3A_896 = arith.constant 400 : index
    %swap3A_897 = tpu.vector_load %arg8[%swap3A_896] {strides = array<i32>} : memref<512xi32, #tpu.memory_space<vmem>>, vector<16xi32>,
    tpu.vector_store %arg8[%swap3A_896], %add3A_895 {strides = array<i32>} : memref<512xi32, #tpu.memory_space<vmem>>, vector<16xi32>,
    %get3A_898 = arith.constant 416 : index
    %get3A_899 = tpu.vector_load %arg6[%get3A_898] {strides = array<i32>} : memref<512xi32, #tpu.memory_space<vmem>>, vector<16xi32>,
    %get3A_900 = arith.constant 416 : index
    %get3A_901 = tpu.vector_load %arg7[%get3A_900] {strides = array<i32>} : memref<512xi32, #tpu.memory_space<vmem>>, vector<16xi32>,
    %shift_right_arithmetic3A_902 = arith.constant 3 : i32
    %shift_right_arithmetic3A_903 = vector.broadcast %shift_right_arithmetic3A_902 : i32 to vector<16xi32>
    %shift_right_arithmetic3A_904 = arith.shrsi %get3A_899, %shift_right_arithmetic3A_903 : vector<16xi32>
    %shift_left3A_905 = arith.constant 16 : i32
    %shift_left3A_906 = vector.broadcast %shift_left3A_905 : i32 to vector<16xi32>
    %shift_left3A_907 = arith.shli %shift_right_arithmetic3A_904, %shift_left3A_906 : vector<16xi32>
    %shift_right_arithmetic3A_908 = arith.constant 7 : i32
    %shift_right_arithmetic3A_909 = vector.broadcast %shift_right_arithmetic3A_908 : i32 to vector<16xi32>
    %shift_right_arithmetic3A_910 = arith.shrsi %get3A_901, %shift_right_arithmetic3A_909 : vector<16xi32>
    %shift_left3A_911 = arith.constant 10 : i32
    %shift_left3A_912 = vector.broadcast %shift_left3A_911 : i32 to vector<16xi32>
    %shift_left3A_913 = arith.shli %shift_right_arithmetic3A_910, %shift_left3A_912 : vector<16xi32>
    %add3A_914 = arith.addi %shift_left3A_907, %shift_left3A_913 : vector<16xi32>
    %and3A_915 = arith.constant 7 : i32
    %and3A_916 = vector.broadcast %and3A_915 : i32 to vector<16xi32>
    %and3A_917 = arith.andi %get3A_899, %and3A_916 : vector<16xi32>
    %shift_left3A_918 = arith.constant 7 : i32
    %shift_left3A_919 = vector.broadcast %shift_left3A_918 : i32 to vector<16xi32>
    %shift_left3A_920 = arith.shli %and3A_917, %shift_left3A_919 : vector<16xi32>
    %add3A_921 = arith.addi %add3A_914, %shift_left3A_920 : vector<16xi32>
    %and3A_922 = arith.constant 127 : i32
    %and3A_923 = vector.broadcast %and3A_922 : i32 to vector<16xi32>
    %and3A_924 = arith.andi %get3A_901, %and3A_923 : vector<16xi32>
    %add3A_925 = arith.addi %add3A_921, %and3A_924 : vector<16xi32>
    %swap3A_926 = arith.constant 416 : index
    %swap3A_927 = tpu.vector_load %arg8[%swap3A_926] {strides = array<i32>} : memref<512xi32, #tpu.memory_space<vmem>>, vector<16xi32>,
    tpu.vector_store %arg8[%swap3A_926], %add3A_925 {strides = array<i32>} : memref<512xi32, #tpu.memory_space<vmem>>, vector<16xi32>,
    %get3A_928 = arith.constant 432 : index
    %get3A_929 = tpu.vector_load %arg6[%get3A_928] {strides = array<i32>} : memref<512xi32, #tpu.memory_space<vmem>>, vector<16xi32>,
    %get3A_930 = arith.constant 432 : index
    %get3A_931 = tpu.vector_load %arg7[%get3A_930] {strides = array<i32>} : memref<512xi32, #tpu.memory_space<vmem>>, vector<16xi32>,
    %shift_right_arithmetic3A_932 = arith.constant 3 : i32
    %shift_right_arithmetic3A_933 = vector.broadcast %shift_right_arithmetic3A_932 : i32 to vector<16xi32>
    %shift_right_arithmetic3A_934 = arith.shrsi %get3A_929, %shift_right_arithmetic3A_933 : vector<16xi32>
    %shift_left3A_935 = arith.constant 16 : i32
    %shift_left3A_936 = vector.broadcast %shift_left3A_935 : i32 to vector<16xi32>
    %shift_left3A_937 = arith.shli %shift_right_arithmetic3A_934, %shift_left3A_936 : vector<16xi32>
    %shift_right_arithmetic3A_938 = arith.constant 7 : i32
    %shift_right_arithmetic3A_939 = vector.broadcast %shift_right_arithmetic3A_938 : i32 to vector<16xi32>
    %shift_right_arithmetic3A_940 = arith.shrsi %get3A_931, %shift_right_arithmetic3A_939 : vector<16xi32>
    %shift_left3A_941 = arith.constant 10 : i32
    %shift_left3A_942 = vector.broadcast %shift_left3A_941 : i32 to vector<16xi32>
    %shift_left3A_943 = arith.shli %shift_right_arithmetic3A_940, %shift_left3A_942 : vector<16xi32>
    %add3A_944 = arith.addi %shift_left3A_937, %shift_left3A_943 : vector<16xi32>
    %and3A_945 = arith.constant 7 : i32
    %and3A_946 = vector.broadcast %and3A_945 : i32 to vector<16xi32>
    %and3A_947 = arith.andi %get3A_929, %and3A_946 : vector<16xi32>
    %shift_left3A_948 = arith.constant 7 : i32
    %shift_left3A_949 = vector.broadcast %shift_left3A_948 : i32 to vector<16xi32>
    %shift_left3A_950 = arith.shli %and3A_947, %shift_left3A_949 : vector<16xi32>
    %add3A_951 = arith.addi %add3A_944, %shift_left3A_950 : vector<16xi32>
    %and3A_952 = arith.constant 127 : i32
    %and3A_953 = vector.broadcast %and3A_952 : i32 to vector<16xi32>
    %and3A_954 = arith.andi %get3A_931, %and3A_953 : vector<16xi32>
    %add3A_955 = arith.addi %add3A_951, %and3A_954 : vector<16xi32>
    %swap3A_956 = arith.constant 432 : index
    %swap3A_957 = tpu.vector_load %arg8[%swap3A_956] {strides = array<i32>} : memref<512xi32, #tpu.memory_space<vmem>>, vector<16xi32>,
    tpu.vector_store %arg8[%swap3A_956], %add3A_955 {strides = array<i32>} : memref<512xi32, #tpu.memory_space<vmem>>, vector<16xi32>,
    %get3A_958 = arith.constant 448 : index
    %get3A_959 = tpu.vector_load %arg6[%get3A_958] {strides = array<i32>} : memref<512xi32, #tpu.memory_space<vmem>>, vector<16xi32>,
    %get3A_960 = arith.constant 448 : index
    %get3A_961 = tpu.vector_load %arg7[%get3A_960] {strides = array<i32>} : memref<512xi32, #tpu.memory_space<vmem>>, vector<16xi32>,
    %shift_right_arithmetic3A_962 = arith.constant 3 : i32
    %shift_right_arithmetic3A_963 = vector.broadcast %shift_right_arithmetic3A_962 : i32 to vector<16xi32>
    %shift_right_arithmetic3A_964 = arith.shrsi %get3A_959, %shift_right_arithmetic3A_963 : vector<16xi32>
    %shift_left3A_965 = arith.constant 16 : i32
    %shift_left3A_966 = vector.broadcast %shift_left3A_965 : i32 to vector<16xi32>
    %shift_left3A_967 = arith.shli %shift_right_arithmetic3A_964, %shift_left3A_966 : vector<16xi32>
    %shift_right_arithmetic3A_968 = arith.constant 7 : i32
    %shift_right_arithmetic3A_969 = vector.broadcast %shift_right_arithmetic3A_968 : i32 to vector<16xi32>
    %shift_right_arithmetic3A_970 = arith.shrsi %get3A_961, %shift_right_arithmetic3A_969 : vector<16xi32>
    %shift_left3A_971 = arith.constant 10 : i32
    %shift_left3A_972 = vector.broadcast %shift_left3A_971 : i32 to vector<16xi32>
    %shift_left3A_973 = arith.shli %shift_right_arithmetic3A_970, %shift_left3A_972 : vector<16xi32>
    %add3A_974 = arith.addi %shift_left3A_967, %shift_left3A_973 : vector<16xi32>
    %and3A_975 = arith.constant 7 : i32
    %and3A_976 = vector.broadcast %and3A_975 : i32 to vector<16xi32>
    %and3A_977 = arith.andi %get3A_959, %and3A_976 : vector<16xi32>
    %shift_left3A_978 = arith.constant 7 : i32
    %shift_left3A_979 = vector.broadcast %shift_left3A_978 : i32 to vector<16xi32>
    %shift_left3A_980 = arith.shli %and3A_977, %shift_left3A_979 : vector<16xi32>
    %add3A_981 = arith.addi %add3A_974, %shift_left3A_980 : vector<16xi32>
    %and3A_982 = arith.constant 127 : i32
    %and3A_983 = vector.broadcast %and3A_982 : i32 to vector<16xi32>
    %and3A_984 = arith.andi %get3A_961, %and3A_983 : vector<16xi32>
    %add3A_985 = arith.addi %add3A_981, %and3A_984 : vector<16xi32>
    %swap3A_986 = arith.constant 448 : index
    %swap3A_987 = tpu.vector_load %arg8[%swap3A_986] {strides = array<i32>} : memref<512xi32, #tpu.memory_space<vmem>>, vector<16xi32>,
    tpu.vector_store %arg8[%swap3A_986], %add3A_985 {strides = array<i32>} : memref<512xi32, #tpu.memory_space<vmem>>, vector<16xi32>,
    %get3A_988 = arith.constant 464 : index
    %get3A_989 = tpu.vector_load %arg6[%get3A_988] {strides = array<i32>} : memref<512xi32, #tpu.memory_space<vmem>>, vector<16xi32>,
    %get3A_990 = arith.constant 464 : index
    %get3A_991 = tpu.vector_load %arg7[%get3A_990] {strides = array<i32>} : memref<512xi32, #tpu.memory_space<vmem>>, vector<16xi32>,
    %shift_right_arithmetic3A_992 = arith.constant 3 : i32
    %shift_right_arithmetic3A_993 = vector.broadcast %shift_right_arithmetic3A_992 : i32 to vector<16xi32>
    %shift_right_arithmetic3A_994 = arith.shrsi %get3A_989, %shift_right_arithmetic3A_993 : vector<16xi32>
    %shift_left3A_995 = arith.constant 16 : i32
    %shift_left3A_996 = vector.broadcast %shift_left3A_995 : i32 to vector<16xi32>
    %shift_left3A_997 = arith.shli %shift_right_arithmetic3A_994, %shift_left3A_996 : vector<16xi32>
    %shift_right_arithmetic3A_998 = arith.constant 7 : i32
    %shift_right_arithmetic3A_999 = vector.broadcast %shift_right_arithmetic3A_998 : i32 to vector<16xi32>
    %shift_right_arithmetic3A_1000 = arith.shrsi %get3A_991, %shift_right_arithmetic3A_999 : vector<16xi32>
    %shift_left3A_1001 = arith.constant 10 : i32
    %shift_left3A_1002 = vector.broadcast %shift_left3A_1001 : i32 to vector<16xi32>
    %shift_left3A_1003 = arith.shli %shift_right_arithmetic3A_1000, %shift_left3A_1002 : vector<16xi32>
    %add3A_1004 = arith.addi %shift_left3A_997, %shift_left3A_1003 : vector<16xi32>
    %and3A_1005 = arith.constant 7 : i32
    %and3A_1006 = vector.broadcast %and3A_1005 : i32 to vector<16xi32>
    %and3A_1007 = arith.andi %get3A_989, %and3A_1006 : vector<16xi32>
    %shift_left3A_1008 = arith.constant 7 : i32
    %shift_left3A_1009 = vector.broadcast %shift_left3A_1008 : i32 to vector<16xi32>
    %shift_left3A_1010 = arith.shli %and3A_1007, %shift_left3A_1009 : vector<16xi32>
    %add3A_1011 = arith.addi %add3A_1004, %shift_left3A_1010 : vector<16xi32>
    %and3A_1012 = arith.constant 127 : i32
    %and3A_1013 = vector.broadcast %and3A_1012 : i32 to vector<16xi32>
    %and3A_1014 = arith.andi %get3A_991, %and3A_1013 : vector<16xi32>
    %add3A_1015 = arith.addi %add3A_1011, %and3A_1014 : vector<16xi32>
    %swap3A_1016 = arith.constant 464 : index
    %swap3A_1017 = tpu.vector_load %arg8[%swap3A_1016] {strides = array<i32>} : memref<512xi32, #tpu.memory_space<vmem>>, vector<16xi32>,
    tpu.vector_store %arg8[%swap3A_1016], %add3A_1015 {strides = array<i32>} : memref<512xi32, #tpu.memory_space<vmem>>, vector<16xi32>,
    %get3A_1018 = arith.constant 480 : index
    %get3A_1019 = tpu.vector_load %arg6[%get3A_1018] {strides = array<i32>} : memref<512xi32, #tpu.memory_space<vmem>>, vector<16xi32>,
    %get3A_1020 = arith.constant 480 : index
    %get3A_1021 = tpu.vector_load %arg7[%get3A_1020] {strides = array<i32>} : memref<512xi32, #tpu.memory_space<vmem>>, vector<16xi32>,
    %shift_right_arithmetic3A_1022 = arith.constant 3 : i32
    %shift_right_arithmetic3A_1023 = vector.broadcast %shift_right_arithmetic3A_1022 : i32 to vector<16xi32>
    %shift_right_arithmetic3A_1024 = arith.shrsi %get3A_1019, %shift_right_arithmetic3A_1023 : vector<16xi32>
    %shift_left3A_1025 = arith.constant 16 : i32
    %shift_left3A_1026 = vector.broadcast %shift_left3A_1025 : i32 to vector<16xi32>
    %shift_left3A_1027 = arith.shli %shift_right_arithmetic3A_1024, %shift_left3A_1026 : vector<16xi32>
    %shift_right_arithmetic3A_1028 = arith.constant 7 : i32
    %shift_right_arithmetic3A_1029 = vector.broadcast %shift_right_arithmetic3A_1028 : i32 to vector<16xi32>
    %shift_right_arithmetic3A_1030 = arith.shrsi %get3A_1021, %shift_right_arithmetic3A_1029 : vector<16xi32>
    %shift_left3A_1031 = arith.constant 10 : i32
    %shift_left3A_1032 = vector.broadcast %shift_left3A_1031 : i32 to vector<16xi32>
    %shift_left3A_1033 = arith.shli %shift_right_arithmetic3A_1030, %shift_left3A_1032 : vector<16xi32>
    %add3A_1034 = arith.addi %shift_left3A_1027, %shift_left3A_1033 : vector<16xi32>
    %and3A_1035 = arith.constant 7 : i32
    %and3A_1036 = vector.broadcast %and3A_1035 : i32 to vector<16xi32>
    %and3A_1037 = arith.andi %get3A_1019, %and3A_1036 : vector<16xi32>
    %shift_left3A_1038 = arith.constant 7 : i32
    %shift_left3A_1039 = vector.broadcast %shift_left3A_1038 : i32 to vector<16xi32>
    %shift_left3A_1040 = arith.shli %and3A_1037, %shift_left3A_1039 : vector<16xi32>
    %add3A_1041 = arith.addi %add3A_1034, %shift_left3A_1040 : vector<16xi32>
    %and3A_1042 = arith.constant 127 : i32
    %and3A_1043 = vector.broadcast %and3A_1042 : i32 to vector<16xi32>
    %and3A_1044 = arith.andi %get3A_1021, %and3A_1043 : vector<16xi32>
    %add3A_1045 = arith.addi %add3A_1041, %and3A_1044 : vector<16xi32>
    %swap3A_1046 = arith.constant 480 : index
    %swap3A_1047 = tpu.vector_load %arg8[%swap3A_1046] {strides = array<i32>} : memref<512xi32, #tpu.memory_space<vmem>>, vector<16xi32>,
    tpu.vector_store %arg8[%swap3A_1046], %add3A_1045 {strides = array<i32>} : memref<512xi32, #tpu.memory_space<vmem>>, vector<16xi32>,
    %get3A_1048 = arith.constant 496 : index
    %get3A_1049 = tpu.vector_load %arg6[%get3A_1048] {strides = array<i32>} : memref<512xi32, #tpu.memory_space<vmem>>, vector<16xi32>,
    %get3A_1050 = arith.constant 496 : index
    %get3A_1051 = tpu.vector_load %arg7[%get3A_1050] {strides = array<i32>} : memref<512xi32, #tpu.memory_space<vmem>>, vector<16xi32>,
    %shift_right_arithmetic3A_1052 = arith.constant 3 : i32
    %shift_right_arithmetic3A_1053 = vector.broadcast %shift_right_arithmetic3A_1052 : i32 to vector<16xi32>
    %shift_right_arithmetic3A_1054 = arith.shrsi %get3A_1049, %shift_right_arithmetic3A_1053 : vector<16xi32>
    %shift_left3A_1055 = arith.constant 16 : i32
    %shift_left3A_1056 = vector.broadcast %shift_left3A_1055 : i32 to vector<16xi32>
    %shift_left3A_1057 = arith.shli %shift_right_arithmetic3A_1054, %shift_left3A_1056 : vector<16xi32>
    %shift_right_arithmetic3A_1058 = arith.constant 7 : i32
    %shift_right_arithmetic3A_1059 = vector.broadcast %shift_right_arithmetic3A_1058 : i32 to vector<16xi32>
    %shift_right_arithmetic3A_1060 = arith.shrsi %get3A_1051, %shift_right_arithmetic3A_1059 : vector<16xi32>
    %shift_left3A_1061 = arith.constant 10 : i32
    %shift_left3A_1062 = vector.broadcast %shift_left3A_1061 : i32 to vector<16xi32>
    %shift_left3A_1063 = arith.shli %shift_right_arithmetic3A_1060, %shift_left3A_1062 : vector<16xi32>
    %add3A_1064 = arith.addi %shift_left3A_1057, %shift_left3A_1063 : vector<16xi32>
    %and3A_1065 = arith.constant 7 : i32
    %and3A_1066 = vector.broadcast %and3A_1065 : i32 to vector<16xi32>
    %and3A_1067 = arith.andi %get3A_1049, %and3A_1066 : vector<16xi32>
    %shift_left3A_1068 = arith.constant 7 : i32
    %shift_left3A_1069 = vector.broadcast %shift_left3A_1068 : i32 to vector<16xi32>
    %shift_left3A_1070 = arith.shli %and3A_1067, %shift_left3A_1069 : vector<16xi32>
    %add3A_1071 = arith.addi %add3A_1064, %shift_left3A_1070 : vector<16xi32>
    %and3A_1072 = arith.constant 127 : i32
    %and3A_1073 = vector.broadcast %and3A_1072 : i32 to vector<16xi32>
    %and3A_1074 = arith.andi %get3A_1051, %and3A_1073 : vector<16xi32>
    %add3A_1075 = arith.addi %add3A_1071, %and3A_1074 : vector<16xi32>
    %swap3A_1076 = arith.constant 496 : index
    %swap3A_1077 = tpu.vector_load %arg8[%swap3A_1076] {strides = array<i32>} : memref<512xi32, #tpu.memory_space<vmem>>, vector<16xi32>,
    tpu.vector_store %arg8[%swap3A_1076], %add3A_1075 {strides = array<i32>} : memref<512xi32, #tpu.memory_space<vmem>>, vector<16xi32>,
    %dma_start3A_1078 = arith.constant 384 : i32
    %dma_start3A_1079 = tpu.memref_slice %arg9[%dma_start3A_1078] : memref<512xf32, #tpu.memory_space<vmem>> -> memref<128xf32, #tpu.memory_space<vmem>>
    %dma_start3A_1080 = arith.constant 384 : i32
    %dma_start3A_1081 = tpu.memref_slice %arg8[%dma_start3A_1080] : memref<512xi32, #tpu.memory_space<vmem>> -> memref<128xi32, #tpu.memory_space<vmem>>
    %dma_start3A_1082 = arith.constant 0 : i32
    %dma_start3A_1083 = tpu.memref_slice %arg2[%dma_start3A_1082] : memref<67108864xf32, #tpu.memory_space<hbm>> -> memref<67108864xf32, #tpu.memory_space<hbm>>
    tpu.enqueue_indirect_dma source(%dma_start3A_1083 : memref<67108864xf32, #tpu.memory_space<hbm>>) target(%dma_start3A_1079 : memref<128xf32, #tpu.memory_space<vmem>>) offsets(%dma_start3A_1081 : memref<128xi32, #tpu.memory_space<vmem>>) semaphore(%arg17 : memref<!tpu.dma_semaphore, #tpu.memory_space<semaphore_mem>>)
    %dma_wait3A_1084 = arith.constant 0 : i32
    %dma_wait3A_1085 = tpu.memref_slice %arg9[%dma_wait3A_1084] : memref<512xf32, #tpu.memory_space<vmem>> -> memref<128xf32, #tpu.memory_space<vmem>>
    %dma_wait3A_1086 = arith.constant 0 : i32
    %dma_wait3A_1087 = tpu.memref_slice %arg8[%dma_wait3A_1086] : memref<512xi32, #tpu.memory_space<vmem>> -> memref<128xi32, #tpu.memory_space<vmem>>
    %dma_wait3A_1088 = arith.constant 0 : i32
    %dma_wait3A_1089 = tpu.memref_slice %arg2[%dma_wait3A_1088] : memref<67108864xf32, #tpu.memory_space<hbm>> -> memref<67108864xf32, #tpu.memory_space<hbm>>
    tpu.wait_indirect_dma semaphore(%arg14 : memref<!tpu.dma_semaphore, #tpu.memory_space<semaphore_mem>>) src(%dma_wait3A_1089 : memref<67108864xf32, #tpu.memory_space<hbm>>) dst(%dma_wait3A_1085 : memref<128xf32, #tpu.memory_space<vmem>>)
    %get3A_1090 = arith.constant 0 : index
    %get3A_1091 = tpu.vector_load %arg9[%get3A_1090] {strides = array<i32>} : memref<512xf32, #tpu.memory_space<vmem>>, vector<16xf32>,
    %neg3A = arith.constant 0.000000e+00 : f32
    %neg3A_1092 = vector.broadcast %neg3A : f32 to vector<16xf32>
    %neg3A_1093 = arith.subf %neg3A_1092, %get3A_1091 : vector<16xf32>
    %exp3A = math.exp %neg3A_1093 : vector<16xf32>
    %add3A_1094 = arith.constant 1.000000e+00 : f32
    %add3A_1095 = vector.broadcast %add3A_1094 : f32 to vector<16xf32>
    %add3A_1096 = arith.addf %add3A_1095, %exp3A : vector<16xf32>
    %div3A = arith.constant 1.000000e+00 : f32
    %div3A_1097 = vector.broadcast %div3A : f32 to vector<16xf32>
    %div3A_1098 = arith.divf %div3A_1097, %add3A_1096 : vector<16xf32>
    %swap3A_1099 = arith.constant 0 : index
    %swap3A_1100 = tpu.vector_load %arg9[%swap3A_1099] {strides = array<i32>} : memref<512xf32, #tpu.memory_space<vmem>>, vector<16xf32>,
    tpu.vector_store %arg9[%swap3A_1099], %div3A_1098 {strides = array<i32>} : memref<512xf32, #tpu.memory_space<vmem>>, vector<16xf32>,
    %get3A_1101 = arith.constant 16 : index
    %get3A_1102 = tpu.vector_load %arg9[%get3A_1101] {strides = array<i32>} : memref<512xf32, #tpu.memory_space<vmem>>, vector<16xf32>,
    %neg3A_1103 = arith.constant 0.000000e+00 : f32
    %neg3A_1104 = vector.broadcast %neg3A_1103 : f32 to vector<16xf32>
    %neg3A_1105 = arith.subf %neg3A_1104, %get3A_1102 : vector<16xf32>
    %exp3A_1106 = math.exp %neg3A_1105 : vector<16xf32>
    %add3A_1107 = arith.constant 1.000000e+00 : f32
    %add3A_1108 = vector.broadcast %add3A_1107 : f32 to vector<16xf32>
    %add3A_1109 = arith.addf %add3A_1108, %exp3A_1106 : vector<16xf32>
    %div3A_1110 = arith.constant 1.000000e+00 : f32
    %div3A_1111 = vector.broadcast %div3A_1110 : f32 to vector<16xf32>
    %div3A_1112 = arith.divf %div3A_1111, %add3A_1109 : vector<16xf32>
    %swap3A_1113 = arith.constant 16 : index
    %swap3A_1114 = tpu.vector_load %arg9[%swap3A_1113] {strides = array<i32>} : memref<512xf32, #tpu.memory_space<vmem>>, vector<16xf32>,
    tpu.vector_store %arg9[%swap3A_1113], %div3A_1112 {strides = array<i32>} : memref<512xf32, #tpu.memory_space<vmem>>, vector<16xf32>,
    %get3A_1115 = arith.constant 32 : index
    %get3A_1116 = tpu.vector_load %arg9[%get3A_1115] {strides = array<i32>} : memref<512xf32, #tpu.memory_space<vmem>>, vector<16xf32>,
    %neg3A_1117 = arith.constant 0.000000e+00 : f32
    %neg3A_1118 = vector.broadcast %neg3A_1117 : f32 to vector<16xf32>
    %neg3A_1119 = arith.subf %neg3A_1118, %get3A_1116 : vector<16xf32>
    %exp3A_1120 = math.exp %neg3A_1119 : vector<16xf32>
    %add3A_1121 = arith.constant 1.000000e+00 : f32
    %add3A_1122 = vector.broadcast %add3A_1121 : f32 to vector<16xf32>
    %add3A_1123 = arith.addf %add3A_1122, %exp3A_1120 : vector<16xf32>
    %div3A_1124 = arith.constant 1.000000e+00 : f32
    %div3A_1125 = vector.broadcast %div3A_1124 : f32 to vector<16xf32>
    %div3A_1126 = arith.divf %div3A_1125, %add3A_1123 : vector<16xf32>
    %swap3A_1127 = arith.constant 32 : index
    %swap3A_1128 = tpu.vector_load %arg9[%swap3A_1127] {strides = array<i32>} : memref<512xf32, #tpu.memory_space<vmem>>, vector<16xf32>,
    tpu.vector_store %arg9[%swap3A_1127], %div3A_1126 {strides = array<i32>} : memref<512xf32, #tpu.memory_space<vmem>>, vector<16xf32>,
    %get3A_1129 = arith.constant 48 : index
    %get3A_1130 = tpu.vector_load %arg9[%get3A_1129] {strides = array<i32>} : memref<512xf32, #tpu.memory_space<vmem>>, vector<16xf32>,
    %neg3A_1131 = arith.constant 0.000000e+00 : f32
    %neg3A_1132 = vector.broadcast %neg3A_1131 : f32 to vector<16xf32>
    %neg3A_1133 = arith.subf %neg3A_1132, %get3A_1130 : vector<16xf32>
    %exp3A_1134 = math.exp %neg3A_1133 : vector<16xf32>
    %add3A_1135 = arith.constant 1.000000e+00 : f32
    %add3A_1136 = vector.broadcast %add3A_1135 : f32 to vector<16xf32>
    %add3A_1137 = arith.addf %add3A_1136, %exp3A_1134 : vector<16xf32>
    %div3A_1138 = arith.constant 1.000000e+00 : f32
    %div3A_1139 = vector.broadcast %div3A_1138 : f32 to vector<16xf32>
    %div3A_1140 = arith.divf %div3A_1139, %add3A_1137 : vector<16xf32>
    %swap3A_1141 = arith.constant 48 : index
    %swap3A_1142 = tpu.vector_load %arg9[%swap3A_1141] {strides = array<i32>} : memref<512xf32, #tpu.memory_space<vmem>>, vector<16xf32>,
    tpu.vector_store %arg9[%swap3A_1141], %div3A_1140 {strides = array<i32>} : memref<512xf32, #tpu.memory_space<vmem>>, vector<16xf32>,
    %get3A_1143 = arith.constant 64 : index
    %get3A_1144 = tpu.vector_load %arg9[%get3A_1143] {strides = array<i32>} : memref<512xf32, #tpu.memory_space<vmem>>, vector<16xf32>,
    %neg3A_1145 = arith.constant 0.000000e+00 : f32
    %neg3A_1146 = vector.broadcast %neg3A_1145 : f32 to vector<16xf32>
    %neg3A_1147 = arith.subf %neg3A_1146, %get3A_1144 : vector<16xf32>
    %exp3A_1148 = math.exp %neg3A_1147 : vector<16xf32>
    %add3A_1149 = arith.constant 1.000000e+00 : f32
    %add3A_1150 = vector.broadcast %add3A_1149 : f32 to vector<16xf32>
    %add3A_1151 = arith.addf %add3A_1150, %exp3A_1148 : vector<16xf32>
    %div3A_1152 = arith.constant 1.000000e+00 : f32
    %div3A_1153 = vector.broadcast %div3A_1152 : f32 to vector<16xf32>
    %div3A_1154 = arith.divf %div3A_1153, %add3A_1151 : vector<16xf32>
    %swap3A_1155 = arith.constant 64 : index
    %swap3A_1156 = tpu.vector_load %arg9[%swap3A_1155] {strides = array<i32>} : memref<512xf32, #tpu.memory_space<vmem>>, vector<16xf32>,
    tpu.vector_store %arg9[%swap3A_1155], %div3A_1154 {strides = array<i32>} : memref<512xf32, #tpu.memory_space<vmem>>, vector<16xf32>,
    %get3A_1157 = arith.constant 80 : index
    %get3A_1158 = tpu.vector_load %arg9[%get3A_1157] {strides = array<i32>} : memref<512xf32, #tpu.memory_space<vmem>>, vector<16xf32>,
    %neg3A_1159 = arith.constant 0.000000e+00 : f32
    %neg3A_1160 = vector.broadcast %neg3A_1159 : f32 to vector<16xf32>
    %neg3A_1161 = arith.subf %neg3A_1160, %get3A_1158 : vector<16xf32>
    %exp3A_1162 = math.exp %neg3A_1161 : vector<16xf32>
    %add3A_1163 = arith.constant 1.000000e+00 : f32
    %add3A_1164 = vector.broadcast %add3A_1163 : f32 to vector<16xf32>
    %add3A_1165 = arith.addf %add3A_1164, %exp3A_1162 : vector<16xf32>
    %div3A_1166 = arith.constant 1.000000e+00 : f32
    %div3A_1167 = vector.broadcast %div3A_1166 : f32 to vector<16xf32>
    %div3A_1168 = arith.divf %div3A_1167, %add3A_1165 : vector<16xf32>
    %swap3A_1169 = arith.constant 80 : index
    %swap3A_1170 = tpu.vector_load %arg9[%swap3A_1169] {strides = array<i32>} : memref<512xf32, #tpu.memory_space<vmem>>, vector<16xf32>,
    tpu.vector_store %arg9[%swap3A_1169], %div3A_1168 {strides = array<i32>} : memref<512xf32, #tpu.memory_space<vmem>>, vector<16xf32>,
    %get3A_1171 = arith.constant 96 : index
    %get3A_1172 = tpu.vector_load %arg9[%get3A_1171] {strides = array<i32>} : memref<512xf32, #tpu.memory_space<vmem>>, vector<16xf32>,
    %neg3A_1173 = arith.constant 0.000000e+00 : f32
    %neg3A_1174 = vector.broadcast %neg3A_1173 : f32 to vector<16xf32>
    %neg3A_1175 = arith.subf %neg3A_1174, %get3A_1172 : vector<16xf32>
    %exp3A_1176 = math.exp %neg3A_1175 : vector<16xf32>
    %add3A_1177 = arith.constant 1.000000e+00 : f32
    %add3A_1178 = vector.broadcast %add3A_1177 : f32 to vector<16xf32>
    %add3A_1179 = arith.addf %add3A_1178, %exp3A_1176 : vector<16xf32>
    %div3A_1180 = arith.constant 1.000000e+00 : f32
    %div3A_1181 = vector.broadcast %div3A_1180 : f32 to vector<16xf32>
    %div3A_1182 = arith.divf %div3A_1181, %add3A_1179 : vector<16xf32>
    %swap3A_1183 = arith.constant 96 : index
    %swap3A_1184 = tpu.vector_load %arg9[%swap3A_1183] {strides = array<i32>} : memref<512xf32, #tpu.memory_space<vmem>>, vector<16xf32>,
    tpu.vector_store %arg9[%swap3A_1183], %div3A_1182 {strides = array<i32>} : memref<512xf32, #tpu.memory_space<vmem>>, vector<16xf32>,
    %get3A_1185 = arith.constant 112 : index
    %get3A_1186 = tpu.vector_load %arg9[%get3A_1185] {strides = array<i32>} : memref<512xf32, #tpu.memory_space<vmem>>, vector<16xf32>,
    %neg3A_1187 = arith.constant 0.000000e+00 : f32
    %neg3A_1188 = vector.broadcast %neg3A_1187 : f32 to vector<16xf32>
    %neg3A_1189 = arith.subf %neg3A_1188, %get3A_1186 : vector<16xf32>
    %exp3A_1190 = math.exp %neg3A_1189 : vector<16xf32>
    %add3A_1191 = arith.constant 1.000000e+00 : f32
    %add3A_1192 = vector.broadcast %add3A_1191 : f32 to vector<16xf32>
    %add3A_1193 = arith.addf %add3A_1192, %exp3A_1190 : vector<16xf32>
    %div3A_1194 = arith.constant 1.000000e+00 : f32
    %div3A_1195 = vector.broadcast %div3A_1194 : f32 to vector<16xf32>
    %div3A_1196 = arith.divf %div3A_1195, %add3A_1193 : vector<16xf32>
    %swap3A_1197 = arith.constant 112 : index
    %swap3A_1198 = tpu.vector_load %arg9[%swap3A_1197] {strides = array<i32>} : memref<512xf32, #tpu.memory_space<vmem>>, vector<16xf32>,
    tpu.vector_store %arg9[%swap3A_1197], %div3A_1196 {strides = array<i32>} : memref<512xf32, #tpu.memory_space<vmem>>, vector<16xf32>,
    %add3A_1199 = arith.constant 0 : i32
    %add3A_1200 = arith.addi %mul3A_2, %add3A_1199 : i32
    %dma_start3A_1201 = arith.constant 0 : i32
    %dma_start3A_1202 = tpu.memref_slice %arg9[%dma_start3A_1201] : memref<512xf32, #tpu.memory_space<vmem>> -> memref<128xf32, #tpu.memory_space<vmem>>
    %dma_start3A_1203 = tpu.memref_slice %arg5[%add3A_1200] : memref<16384xf32, #tpu.memory_space<hbm>> -> memref<128xf32, #tpu.memory_space<hbm>>
    %dma_start3A_1204 = tpu.memref_slice %arg5[%add3A_1200] : memref<16384xf32, #tpu.memory_space<hbm>> -> memref<128xf32, #tpu.memory_space<hbm>>
    %dma_start3A_1205 = arith.constant 0 : i32
    %dma_start3A_1206 = tpu.memref_slice %arg9[%dma_start3A_1205] : memref<512xf32, #tpu.memory_space<vmem>> -> memref<128xf32, #tpu.memory_space<vmem>>
    tpu.enqueue_dma source(%dma_start3A_1206 : memref<128xf32, #tpu.memory_space<vmem>>) target(%dma_start3A_1204 : memref<128xf32, #tpu.memory_space<hbm>>) target_semaphore(%arg18 : memref<!tpu.dma_semaphore, #tpu.memory_space<semaphore_mem>>)
    %dma_wait3A_1207 = arith.constant 128 : i32
    %dma_wait3A_1208 = tpu.memref_slice %arg9[%dma_wait3A_1207] : memref<512xf32, #tpu.memory_space<vmem>> -> memref<128xf32, #tpu.memory_space<vmem>>
    %dma_wait3A_1209 = arith.constant 128 : i32
    %dma_wait3A_1210 = tpu.memref_slice %arg8[%dma_wait3A_1209] : memref<512xi32, #tpu.memory_space<vmem>> -> memref<128xi32, #tpu.memory_space<vmem>>
    %dma_wait3A_1211 = arith.constant 0 : i32
    %dma_wait3A_1212 = tpu.memref_slice %arg2[%dma_wait3A_1211] : memref<67108864xf32, #tpu.memory_space<hbm>> -> memref<67108864xf32, #tpu.memory_space<hbm>>
    tpu.wait_indirect_dma semaphore(%arg15 : memref<!tpu.dma_semaphore, #tpu.memory_space<semaphore_mem>>) src(%dma_wait3A_1212 : memref<67108864xf32, #tpu.memory_space<hbm>>) dst(%dma_wait3A_1208 : memref<128xf32, #tpu.memory_space<vmem>>)
    %get3A_1213 = arith.constant 128 : index
    %get3A_1214 = tpu.vector_load %arg9[%get3A_1213] {strides = array<i32>} : memref<512xf32, #tpu.memory_space<vmem>>, vector<16xf32>,
    %neg3A_1215 = arith.constant 0.000000e+00 : f32
    %neg3A_1216 = vector.broadcast %neg3A_1215 : f32 to vector<16xf32>
    %neg3A_1217 = arith.subf %neg3A_1216, %get3A_1214 : vector<16xf32>
    %exp3A_1218 = math.exp %neg3A_1217 : vector<16xf32>
    %add3A_1219 = arith.constant 1.000000e+00 : f32
    %add3A_1220 = vector.broadcast %add3A_1219 : f32 to vector<16xf32>
    %add3A_1221 = arith.addf %add3A_1220, %exp3A_1218 : vector<16xf32>
    %div3A_1222 = arith.constant 1.000000e+00 : f32
    %div3A_1223 = vector.broadcast %div3A_1222 : f32 to vector<16xf32>
    %div3A_1224 = arith.divf %div3A_1223, %add3A_1221 : vector<16xf32>
    %swap3A_1225 = arith.constant 128 : index
    %swap3A_1226 = tpu.vector_load %arg9[%swap3A_1225] {strides = array<i32>} : memref<512xf32, #tpu.memory_space<vmem>>, vector<16xf32>,
    tpu.vector_store %arg9[%swap3A_1225], %div3A_1224 {strides = array<i32>} : memref<512xf32, #tpu.memory_space<vmem>>, vector<16xf32>,
    %get3A_1227 = arith.constant 144 : index
    %get3A_1228 = tpu.vector_load %arg9[%get3A_1227] {strides = array<i32>} : memref<512xf32, #tpu.memory_space<vmem>>, vector<16xf32>,
    %neg3A_1229 = arith.constant 0.000000e+00 : f32
    %neg3A_1230 = vector.broadcast %neg3A_1229 : f32 to vector<16xf32>
    %neg3A_1231 = arith.subf %neg3A_1230, %get3A_1228 : vector<16xf32>
    %exp3A_1232 = math.exp %neg3A_1231 : vector<16xf32>
    %add3A_1233 = arith.constant 1.000000e+00 : f32
    %add3A_1234 = vector.broadcast %add3A_1233 : f32 to vector<16xf32>
    %add3A_1235 = arith.addf %add3A_1234, %exp3A_1232 : vector<16xf32>
    %div3A_1236 = arith.constant 1.000000e+00 : f32
    %div3A_1237 = vector.broadcast %div3A_1236 : f32 to vector<16xf32>
    %div3A_1238 = arith.divf %div3A_1237, %add3A_1235 : vector<16xf32>
    %swap3A_1239 = arith.constant 144 : index
    %swap3A_1240 = tpu.vector_load %arg9[%swap3A_1239] {strides = array<i32>} : memref<512xf32, #tpu.memory_space<vmem>>, vector<16xf32>,
    tpu.vector_store %arg9[%swap3A_1239], %div3A_1238 {strides = array<i32>} : memref<512xf32, #tpu.memory_space<vmem>>, vector<16xf32>,
    %get3A_1241 = arith.constant 160 : index
    %get3A_1242 = tpu.vector_load %arg9[%get3A_1241] {strides = array<i32>} : memref<512xf32, #tpu.memory_space<vmem>>, vector<16xf32>,
    %neg3A_1243 = arith.constant 0.000000e+00 : f32
    %neg3A_1244 = vector.broadcast %neg3A_1243 : f32 to vector<16xf32>
    %neg3A_1245 = arith.subf %neg3A_1244, %get3A_1242 : vector<16xf32>
    %exp3A_1246 = math.exp %neg3A_1245 : vector<16xf32>
    %add3A_1247 = arith.constant 1.000000e+00 : f32
    %add3A_1248 = vector.broadcast %add3A_1247 : f32 to vector<16xf32>
    %add3A_1249 = arith.addf %add3A_1248, %exp3A_1246 : vector<16xf32>
    %div3A_1250 = arith.constant 1.000000e+00 : f32
    %div3A_1251 = vector.broadcast %div3A_1250 : f32 to vector<16xf32>
    %div3A_1252 = arith.divf %div3A_1251, %add3A_1249 : vector<16xf32>
    %swap3A_1253 = arith.constant 160 : index
    %swap3A_1254 = tpu.vector_load %arg9[%swap3A_1253] {strides = array<i32>} : memref<512xf32, #tpu.memory_space<vmem>>, vector<16xf32>,
    tpu.vector_store %arg9[%swap3A_1253], %div3A_1252 {strides = array<i32>} : memref<512xf32, #tpu.memory_space<vmem>>, vector<16xf32>,
    %get3A_1255 = arith.constant 176 : index
    %get3A_1256 = tpu.vector_load %arg9[%get3A_1255] {strides = array<i32>} : memref<512xf32, #tpu.memory_space<vmem>>, vector<16xf32>,
    %neg3A_1257 = arith.constant 0.000000e+00 : f32
    %neg3A_1258 = vector.broadcast %neg3A_1257 : f32 to vector<16xf32>
    %neg3A_1259 = arith.subf %neg3A_1258, %get3A_1256 : vector<16xf32>
    %exp3A_1260 = math.exp %neg3A_1259 : vector<16xf32>
    %add3A_1261 = arith.constant 1.000000e+00 : f32
    %add3A_1262 = vector.broadcast %add3A_1261 : f32 to vector<16xf32>
    %add3A_1263 = arith.addf %add3A_1262, %exp3A_1260 : vector<16xf32>
    %div3A_1264 = arith.constant 1.000000e+00 : f32
    %div3A_1265 = vector.broadcast %div3A_1264 : f32 to vector<16xf32>
    %div3A_1266 = arith.divf %div3A_1265, %add3A_1263 : vector<16xf32>
    %swap3A_1267 = arith.constant 176 : index
    %swap3A_1268 = tpu.vector_load %arg9[%swap3A_1267] {strides = array<i32>} : memref<512xf32, #tpu.memory_space<vmem>>, vector<16xf32>,
    tpu.vector_store %arg9[%swap3A_1267], %div3A_1266 {strides = array<i32>} : memref<512xf32, #tpu.memory_space<vmem>>, vector<16xf32>,
    %get3A_1269 = arith.constant 192 : index
    %get3A_1270 = tpu.vector_load %arg9[%get3A_1269] {strides = array<i32>} : memref<512xf32, #tpu.memory_space<vmem>>, vector<16xf32>,
    %neg3A_1271 = arith.constant 0.000000e+00 : f32
    %neg3A_1272 = vector.broadcast %neg3A_1271 : f32 to vector<16xf32>
    %neg3A_1273 = arith.subf %neg3A_1272, %get3A_1270 : vector<16xf32>
    %exp3A_1274 = math.exp %neg3A_1273 : vector<16xf32>
    %add3A_1275 = arith.constant 1.000000e+00 : f32
    %add3A_1276 = vector.broadcast %add3A_1275 : f32 to vector<16xf32>
    %add3A_1277 = arith.addf %add3A_1276, %exp3A_1274 : vector<16xf32>
    %div3A_1278 = arith.constant 1.000000e+00 : f32
    %div3A_1279 = vector.broadcast %div3A_1278 : f32 to vector<16xf32>
    %div3A_1280 = arith.divf %div3A_1279, %add3A_1277 : vector<16xf32>
    %swap3A_1281 = arith.constant 192 : index
    %swap3A_1282 = tpu.vector_load %arg9[%swap3A_1281] {strides = array<i32>} : memref<512xf32, #tpu.memory_space<vmem>>, vector<16xf32>,
    tpu.vector_store %arg9[%swap3A_1281], %div3A_1280 {strides = array<i32>} : memref<512xf32, #tpu.memory_space<vmem>>, vector<16xf32>,
    %get3A_1283 = arith.constant 208 : index
    %get3A_1284 = tpu.vector_load %arg9[%get3A_1283] {strides = array<i32>} : memref<512xf32, #tpu.memory_space<vmem>>, vector<16xf32>,
    %neg3A_1285 = arith.constant 0.000000e+00 : f32
    %neg3A_1286 = vector.broadcast %neg3A_1285 : f32 to vector<16xf32>
    %neg3A_1287 = arith.subf %neg3A_1286, %get3A_1284 : vector<16xf32>
    %exp3A_1288 = math.exp %neg3A_1287 : vector<16xf32>
    %add3A_1289 = arith.constant 1.000000e+00 : f32
    %add3A_1290 = vector.broadcast %add3A_1289 : f32 to vector<16xf32>
    %add3A_1291 = arith.addf %add3A_1290, %exp3A_1288 : vector<16xf32>
    %div3A_1292 = arith.constant 1.000000e+00 : f32
    %div3A_1293 = vector.broadcast %div3A_1292 : f32 to vector<16xf32>
    %div3A_1294 = arith.divf %div3A_1293, %add3A_1291 : vector<16xf32>
    %swap3A_1295 = arith.constant 208 : index
    %swap3A_1296 = tpu.vector_load %arg9[%swap3A_1295] {strides = array<i32>} : memref<512xf32, #tpu.memory_space<vmem>>, vector<16xf32>,
    tpu.vector_store %arg9[%swap3A_1295], %div3A_1294 {strides = array<i32>} : memref<512xf32, #tpu.memory_space<vmem>>, vector<16xf32>,
    %get3A_1297 = arith.constant 224 : index
    %get3A_1298 = tpu.vector_load %arg9[%get3A_1297] {strides = array<i32>} : memref<512xf32, #tpu.memory_space<vmem>>, vector<16xf32>,
    %neg3A_1299 = arith.constant 0.000000e+00 : f32
    %neg3A_1300 = vector.broadcast %neg3A_1299 : f32 to vector<16xf32>
    %neg3A_1301 = arith.subf %neg3A_1300, %get3A_1298 : vector<16xf32>
    %exp3A_1302 = math.exp %neg3A_1301 : vector<16xf32>
    %add3A_1303 = arith.constant 1.000000e+00 : f32
    %add3A_1304 = vector.broadcast %add3A_1303 : f32 to vector<16xf32>
    %add3A_1305 = arith.addf %add3A_1304, %exp3A_1302 : vector<16xf32>
    %div3A_1306 = arith.constant 1.000000e+00 : f32
    %div3A_1307 = vector.broadcast %div3A_1306 : f32 to vector<16xf32>
    %div3A_1308 = arith.divf %div3A_1307, %add3A_1305 : vector<16xf32>
    %swap3A_1309 = arith.constant 224 : index
    %swap3A_1310 = tpu.vector_load %arg9[%swap3A_1309] {strides = array<i32>} : memref<512xf32, #tpu.memory_space<vmem>>, vector<16xf32>,
    tpu.vector_store %arg9[%swap3A_1309], %div3A_1308 {strides = array<i32>} : memref<512xf32, #tpu.memory_space<vmem>>, vector<16xf32>,
    %get3A_1311 = arith.constant 240 : index
    %get3A_1312 = tpu.vector_load %arg9[%get3A_1311] {strides = array<i32>} : memref<512xf32, #tpu.memory_space<vmem>>, vector<16xf32>,
    %neg3A_1313 = arith.constant 0.000000e+00 : f32
    %neg3A_1314 = vector.broadcast %neg3A_1313 : f32 to vector<16xf32>
    %neg3A_1315 = arith.subf %neg3A_1314, %get3A_1312 : vector<16xf32>
    %exp3A_1316 = math.exp %neg3A_1315 : vector<16xf32>
    %add3A_1317 = arith.constant 1.000000e+00 : f32
    %add3A_1318 = vector.broadcast %add3A_1317 : f32 to vector<16xf32>
    %add3A_1319 = arith.addf %add3A_1318, %exp3A_1316 : vector<16xf32>
    %div3A_1320 = arith.constant 1.000000e+00 : f32
    %div3A_1321 = vector.broadcast %div3A_1320 : f32 to vector<16xf32>
    %div3A_1322 = arith.divf %div3A_1321, %add3A_1319 : vector<16xf32>
    %swap3A_1323 = arith.constant 240 : index
    %swap3A_1324 = tpu.vector_load %arg9[%swap3A_1323] {strides = array<i32>} : memref<512xf32, #tpu.memory_space<vmem>>, vector<16xf32>,
    tpu.vector_store %arg9[%swap3A_1323], %div3A_1322 {strides = array<i32>} : memref<512xf32, #tpu.memory_space<vmem>>, vector<16xf32>,
    %add3A_1325 = arith.constant 128 : i32
    %add3A_1326 = arith.addi %mul3A_2, %add3A_1325 : i32
    %dma_start3A_1327 = arith.constant 128 : i32
    %dma_start3A_1328 = tpu.memref_slice %arg9[%dma_start3A_1327] : memref<512xf32, #tpu.memory_space<vmem>> -> memref<128xf32, #tpu.memory_space<vmem>>
    %dma_start3A_1329 = tpu.memref_slice %arg5[%add3A_1326] : memref<16384xf32, #tpu.memory_space<hbm>> -> memref<128xf32, #tpu.memory_space<hbm>>
    %dma_start3A_1330 = tpu.memref_slice %arg5[%add3A_1326] : memref<16384xf32, #tpu.memory_space<hbm>> -> memref<128xf32, #tpu.memory_space<hbm>>
    %dma_start3A_1331 = arith.constant 128 : i32
    %dma_start3A_1332 = tpu.memref_slice %arg9[%dma_start3A_1331] : memref<512xf32, #tpu.memory_space<vmem>> -> memref<128xf32, #tpu.memory_space<vmem>>
    tpu.enqueue_dma source(%dma_start3A_1332 : memref<128xf32, #tpu.memory_space<vmem>>) target(%dma_start3A_1330 : memref<128xf32, #tpu.memory_space<hbm>>) target_semaphore(%arg18 : memref<!tpu.dma_semaphore, #tpu.memory_space<semaphore_mem>>)
    %dma_wait3A_1333 = arith.constant 256 : i32
    %dma_wait3A_1334 = tpu.memref_slice %arg9[%dma_wait3A_1333] : memref<512xf32, #tpu.memory_space<vmem>> -> memref<128xf32, #tpu.memory_space<vmem>>
    %dma_wait3A_1335 = arith.constant 256 : i32
    %dma_wait3A_1336 = tpu.memref_slice %arg8[%dma_wait3A_1335] : memref<512xi32, #tpu.memory_space<vmem>> -> memref<128xi32, #tpu.memory_space<vmem>>
    %dma_wait3A_1337 = arith.constant 0 : i32
    %dma_wait3A_1338 = tpu.memref_slice %arg2[%dma_wait3A_1337] : memref<67108864xf32, #tpu.memory_space<hbm>> -> memref<67108864xf32, #tpu.memory_space<hbm>>
    tpu.wait_indirect_dma semaphore(%arg16 : memref<!tpu.dma_semaphore, #tpu.memory_space<semaphore_mem>>) src(%dma_wait3A_1338 : memref<67108864xf32, #tpu.memory_space<hbm>>) dst(%dma_wait3A_1334 : memref<128xf32, #tpu.memory_space<vmem>>)
    %get3A_1339 = arith.constant 256 : index
    %get3A_1340 = tpu.vector_load %arg9[%get3A_1339] {strides = array<i32>} : memref<512xf32, #tpu.memory_space<vmem>>, vector<16xf32>,
    %neg3A_1341 = arith.constant 0.000000e+00 : f32
    %neg3A_1342 = vector.broadcast %neg3A_1341 : f32 to vector<16xf32>
    %neg3A_1343 = arith.subf %neg3A_1342, %get3A_1340 : vector<16xf32>
    %exp3A_1344 = math.exp %neg3A_1343 : vector<16xf32>
    %add3A_1345 = arith.constant 1.000000e+00 : f32
    %add3A_1346 = vector.broadcast %add3A_1345 : f32 to vector<16xf32>
    %add3A_1347 = arith.addf %add3A_1346, %exp3A_1344 : vector<16xf32>
    %div3A_1348 = arith.constant 1.000000e+00 : f32
    %div3A_1349 = vector.broadcast %div3A_1348 : f32 to vector<16xf32>
    %div3A_1350 = arith.divf %div3A_1349, %add3A_1347 : vector<16xf32>
    %swap3A_1351 = arith.constant 256 : index
    %swap3A_1352 = tpu.vector_load %arg9[%swap3A_1351] {strides = array<i32>} : memref<512xf32, #tpu.memory_space<vmem>>, vector<16xf32>,
    tpu.vector_store %arg9[%swap3A_1351], %div3A_1350 {strides = array<i32>} : memref<512xf32, #tpu.memory_space<vmem>>, vector<16xf32>,
    %get3A_1353 = arith.constant 272 : index
    %get3A_1354 = tpu.vector_load %arg9[%get3A_1353] {strides = array<i32>} : memref<512xf32, #tpu.memory_space<vmem>>, vector<16xf32>,
    %neg3A_1355 = arith.constant 0.000000e+00 : f32
    %neg3A_1356 = vector.broadcast %neg3A_1355 : f32 to vector<16xf32>
    %neg3A_1357 = arith.subf %neg3A_1356, %get3A_1354 : vector<16xf32>
    %exp3A_1358 = math.exp %neg3A_1357 : vector<16xf32>
    %add3A_1359 = arith.constant 1.000000e+00 : f32
    %add3A_1360 = vector.broadcast %add3A_1359 : f32 to vector<16xf32>
    %add3A_1361 = arith.addf %add3A_1360, %exp3A_1358 : vector<16xf32>
    %div3A_1362 = arith.constant 1.000000e+00 : f32
    %div3A_1363 = vector.broadcast %div3A_1362 : f32 to vector<16xf32>
    %div3A_1364 = arith.divf %div3A_1363, %add3A_1361 : vector<16xf32>
    %swap3A_1365 = arith.constant 272 : index
    %swap3A_1366 = tpu.vector_load %arg9[%swap3A_1365] {strides = array<i32>} : memref<512xf32, #tpu.memory_space<vmem>>, vector<16xf32>,
    tpu.vector_store %arg9[%swap3A_1365], %div3A_1364 {strides = array<i32>} : memref<512xf32, #tpu.memory_space<vmem>>, vector<16xf32>,
    %get3A_1367 = arith.constant 288 : index
    %get3A_1368 = tpu.vector_load %arg9[%get3A_1367] {strides = array<i32>} : memref<512xf32, #tpu.memory_space<vmem>>, vector<16xf32>,
    %neg3A_1369 = arith.constant 0.000000e+00 : f32
    %neg3A_1370 = vector.broadcast %neg3A_1369 : f32 to vector<16xf32>
    %neg3A_1371 = arith.subf %neg3A_1370, %get3A_1368 : vector<16xf32>
    %exp3A_1372 = math.exp %neg3A_1371 : vector<16xf32>
    %add3A_1373 = arith.constant 1.000000e+00 : f32
    %add3A_1374 = vector.broadcast %add3A_1373 : f32 to vector<16xf32>
    %add3A_1375 = arith.addf %add3A_1374, %exp3A_1372 : vector<16xf32>
    %div3A_1376 = arith.constant 1.000000e+00 : f32
    %div3A_1377 = vector.broadcast %div3A_1376 : f32 to vector<16xf32>
    %div3A_1378 = arith.divf %div3A_1377, %add3A_1375 : vector<16xf32>
    %swap3A_1379 = arith.constant 288 : index
    %swap3A_1380 = tpu.vector_load %arg9[%swap3A_1379] {strides = array<i32>} : memref<512xf32, #tpu.memory_space<vmem>>, vector<16xf32>,
    tpu.vector_store %arg9[%swap3A_1379], %div3A_1378 {strides = array<i32>} : memref<512xf32, #tpu.memory_space<vmem>>, vector<16xf32>,
    %get3A_1381 = arith.constant 304 : index
    %get3A_1382 = tpu.vector_load %arg9[%get3A_1381] {strides = array<i32>} : memref<512xf32, #tpu.memory_space<vmem>>, vector<16xf32>,
    %neg3A_1383 = arith.constant 0.000000e+00 : f32
    %neg3A_1384 = vector.broadcast %neg3A_1383 : f32 to vector<16xf32>
    %neg3A_1385 = arith.subf %neg3A_1384, %get3A_1382 : vector<16xf32>
    %exp3A_1386 = math.exp %neg3A_1385 : vector<16xf32>
    %add3A_1387 = arith.constant 1.000000e+00 : f32
    %add3A_1388 = vector.broadcast %add3A_1387 : f32 to vector<16xf32>
    %add3A_1389 = arith.addf %add3A_1388, %exp3A_1386 : vector<16xf32>
    %div3A_1390 = arith.constant 1.000000e+00 : f32
    %div3A_1391 = vector.broadcast %div3A_1390 : f32 to vector<16xf32>
    %div3A_1392 = arith.divf %div3A_1391, %add3A_1389 : vector<16xf32>
    %swap3A_1393 = arith.constant 304 : index
    %swap3A_1394 = tpu.vector_load %arg9[%swap3A_1393] {strides = array<i32>} : memref<512xf32, #tpu.memory_space<vmem>>, vector<16xf32>,
    tpu.vector_store %arg9[%swap3A_1393], %div3A_1392 {strides = array<i32>} : memref<512xf32, #tpu.memory_space<vmem>>, vector<16xf32>,
    %get3A_1395 = arith.constant 320 : index
    %get3A_1396 = tpu.vector_load %arg9[%get3A_1395] {strides = array<i32>} : memref<512xf32, #tpu.memory_space<vmem>>, vector<16xf32>,
    %neg3A_1397 = arith.constant 0.000000e+00 : f32
    %neg3A_1398 = vector.broadcast %neg3A_1397 : f32 to vector<16xf32>
    %neg3A_1399 = arith.subf %neg3A_1398, %get3A_1396 : vector<16xf32>
    %exp3A_1400 = math.exp %neg3A_1399 : vector<16xf32>
    %add3A_1401 = arith.constant 1.000000e+00 : f32
    %add3A_1402 = vector.broadcast %add3A_1401 : f32 to vector<16xf32>
    %add3A_1403 = arith.addf %add3A_1402, %exp3A_1400 : vector<16xf32>
    %div3A_1404 = arith.constant 1.000000e+00 : f32
    %div3A_1405 = vector.broadcast %div3A_1404 : f32 to vector<16xf32>
    %div3A_1406 = arith.divf %div3A_1405, %add3A_1403 : vector<16xf32>
    %swap3A_1407 = arith.constant 320 : index
    %swap3A_1408 = tpu.vector_load %arg9[%swap3A_1407] {strides = array<i32>} : memref<512xf32, #tpu.memory_space<vmem>>, vector<16xf32>,
    tpu.vector_store %arg9[%swap3A_1407], %div3A_1406 {strides = array<i32>} : memref<512xf32, #tpu.memory_space<vmem>>, vector<16xf32>,
    %get3A_1409 = arith.constant 336 : index
    %get3A_1410 = tpu.vector_load %arg9[%get3A_1409] {strides = array<i32>} : memref<512xf32, #tpu.memory_space<vmem>>, vector<16xf32>,
    %neg3A_1411 = arith.constant 0.000000e+00 : f32
    %neg3A_1412 = vector.broadcast %neg3A_1411 : f32 to vector<16xf32>
    %neg3A_1413 = arith.subf %neg3A_1412, %get3A_1410 : vector<16xf32>
    %exp3A_1414 = math.exp %neg3A_1413 : vector<16xf32>
    %add3A_1415 = arith.constant 1.000000e+00 : f32
    %add3A_1416 = vector.broadcast %add3A_1415 : f32 to vector<16xf32>
    %add3A_1417 = arith.addf %add3A_1416, %exp3A_1414 : vector<16xf32>
    %div3A_1418 = arith.constant 1.000000e+00 : f32
    %div3A_1419 = vector.broadcast %div3A_1418 : f32 to vector<16xf32>
    %div3A_1420 = arith.divf %div3A_1419, %add3A_1417 : vector<16xf32>
    %swap3A_1421 = arith.constant 336 : index
    %swap3A_1422 = tpu.vector_load %arg9[%swap3A_1421] {strides = array<i32>} : memref<512xf32, #tpu.memory_space<vmem>>, vector<16xf32>,
    tpu.vector_store %arg9[%swap3A_1421], %div3A_1420 {strides = array<i32>} : memref<512xf32, #tpu.memory_space<vmem>>, vector<16xf32>,
    %get3A_1423 = arith.constant 352 : index
    %get3A_1424 = tpu.vector_load %arg9[%get3A_1423] {strides = array<i32>} : memref<512xf32, #tpu.memory_space<vmem>>, vector<16xf32>,
    %neg3A_1425 = arith.constant 0.000000e+00 : f32
    %neg3A_1426 = vector.broadcast %neg3A_1425 : f32 to vector<16xf32>
    %neg3A_1427 = arith.subf %neg3A_1426, %get3A_1424 : vector<16xf32>
    %exp3A_1428 = math.exp %neg3A_1427 : vector<16xf32>
    %add3A_1429 = arith.constant 1.000000e+00 : f32
    %add3A_1430 = vector.broadcast %add3A_1429 : f32 to vector<16xf32>
    %add3A_1431 = arith.addf %add3A_1430, %exp3A_1428 : vector<16xf32>
    %div3A_1432 = arith.constant 1.000000e+00 : f32
    %div3A_1433 = vector.broadcast %div3A_1432 : f32 to vector<16xf32>
    %div3A_1434 = arith.divf %div3A_1433, %add3A_1431 : vector<16xf32>
    %swap3A_1435 = arith.constant 352 : index
    %swap3A_1436 = tpu.vector_load %arg9[%swap3A_1435] {strides = array<i32>} : memref<512xf32, #tpu.memory_space<vmem>>, vector<16xf32>,
    tpu.vector_store %arg9[%swap3A_1435], %div3A_1434 {strides = array<i32>} : memref<512xf32, #tpu.memory_space<vmem>>, vector<16xf32>,
    %get3A_1437 = arith.constant 368 : index
    %get3A_1438 = tpu.vector_load %arg9[%get3A_1437] {strides = array<i32>} : memref<512xf32, #tpu.memory_space<vmem>>, vector<16xf32>,
    %neg3A_1439 = arith.constant 0.000000e+00 : f32
    %neg3A_1440 = vector.broadcast %neg3A_1439 : f32 to vector<16xf32>
    %neg3A_1441 = arith.subf %neg3A_1440, %get3A_1438 : vector<16xf32>
    %exp3A_1442 = math.exp %neg3A_1441 : vector<16xf32>
    %add3A_1443 = arith.constant 1.000000e+00 : f32
    %add3A_1444 = vector.broadcast %add3A_1443 : f32 to vector<16xf32>
    %add3A_1445 = arith.addf %add3A_1444, %exp3A_1442 : vector<16xf32>
    %div3A_1446 = arith.constant 1.000000e+00 : f32
    %div3A_1447 = vector.broadcast %div3A_1446 : f32 to vector<16xf32>
    %div3A_1448 = arith.divf %div3A_1447, %add3A_1445 : vector<16xf32>
    %swap3A_1449 = arith.constant 368 : index
    %swap3A_1450 = tpu.vector_load %arg9[%swap3A_1449] {strides = array<i32>} : memref<512xf32, #tpu.memory_space<vmem>>, vector<16xf32>,
    tpu.vector_store %arg9[%swap3A_1449], %div3A_1448 {strides = array<i32>} : memref<512xf32, #tpu.memory_space<vmem>>, vector<16xf32>,
    %add3A_1451 = arith.constant 256 : i32
    %add3A_1452 = arith.addi %mul3A_2, %add3A_1451 : i32
    %dma_start3A_1453 = arith.constant 256 : i32
    %dma_start3A_1454 = tpu.memref_slice %arg9[%dma_start3A_1453] : memref<512xf32, #tpu.memory_space<vmem>> -> memref<128xf32, #tpu.memory_space<vmem>>
    %dma_start3A_1455 = tpu.memref_slice %arg5[%add3A_1452] : memref<16384xf32, #tpu.memory_space<hbm>> -> memref<128xf32, #tpu.memory_space<hbm>>
    %dma_start3A_1456 = tpu.memref_slice %arg5[%add3A_1452] : memref<16384xf32, #tpu.memory_space<hbm>> -> memref<128xf32, #tpu.memory_space<hbm>>
    %dma_start3A_1457 = arith.constant 256 : i32
    %dma_start3A_1458 = tpu.memref_slice %arg9[%dma_start3A_1457] : memref<512xf32, #tpu.memory_space<vmem>> -> memref<128xf32, #tpu.memory_space<vmem>>
    tpu.enqueue_dma source(%dma_start3A_1458 : memref<128xf32, #tpu.memory_space<vmem>>) target(%dma_start3A_1456 : memref<128xf32, #tpu.memory_space<hbm>>) target_semaphore(%arg18 : memref<!tpu.dma_semaphore, #tpu.memory_space<semaphore_mem>>)
    %dma_wait3A_1459 = arith.constant 384 : i32
    %dma_wait3A_1460 = tpu.memref_slice %arg9[%dma_wait3A_1459] : memref<512xf32, #tpu.memory_space<vmem>> -> memref<128xf32, #tpu.memory_space<vmem>>
    %dma_wait3A_1461 = arith.constant 384 : i32
    %dma_wait3A_1462 = tpu.memref_slice %arg8[%dma_wait3A_1461] : memref<512xi32, #tpu.memory_space<vmem>> -> memref<128xi32, #tpu.memory_space<vmem>>
    %dma_wait3A_1463 = arith.constant 0 : i32
    %dma_wait3A_1464 = tpu.memref_slice %arg2[%dma_wait3A_1463] : memref<67108864xf32, #tpu.memory_space<hbm>> -> memref<67108864xf32, #tpu.memory_space<hbm>>
    tpu.wait_indirect_dma semaphore(%arg17 : memref<!tpu.dma_semaphore, #tpu.memory_space<semaphore_mem>>) src(%dma_wait3A_1464 : memref<67108864xf32, #tpu.memory_space<hbm>>) dst(%dma_wait3A_1460 : memref<128xf32, #tpu.memory_space<vmem>>)
    %get3A_1465 = arith.constant 384 : index
    %get3A_1466 = tpu.vector_load %arg9[%get3A_1465] {strides = array<i32>} : memref<512xf32, #tpu.memory_space<vmem>>, vector<16xf32>,
    %neg3A_1467 = arith.constant 0.000000e+00 : f32
    %neg3A_1468 = vector.broadcast %neg3A_1467 : f32 to vector<16xf32>
    %neg3A_1469 = arith.subf %neg3A_1468, %get3A_1466 : vector<16xf32>
    %exp3A_1470 = math.exp %neg3A_1469 : vector<16xf32>
    %add3A_1471 = arith.constant 1.000000e+00 : f32
    %add3A_1472 = vector.broadcast %add3A_1471 : f32 to vector<16xf32>
    %add3A_1473 = arith.addf %add3A_1472, %exp3A_1470 : vector<16xf32>
    %div3A_1474 = arith.constant 1.000000e+00 : f32
    %div3A_1475 = vector.broadcast %div3A_1474 : f32 to vector<16xf32>
    %div3A_1476 = arith.divf %div3A_1475, %add3A_1473 : vector<16xf32>
    %swap3A_1477 = arith.constant 384 : index
    %swap3A_1478 = tpu.vector_load %arg9[%swap3A_1477] {strides = array<i32>} : memref<512xf32, #tpu.memory_space<vmem>>, vector<16xf32>,
    tpu.vector_store %arg9[%swap3A_1477], %div3A_1476 {strides = array<i32>} : memref<512xf32, #tpu.memory_space<vmem>>, vector<16xf32>,
    %get3A_1479 = arith.constant 400 : index
    %get3A_1480 = tpu.vector_load %arg9[%get3A_1479] {strides = array<i32>} : memref<512xf32, #tpu.memory_space<vmem>>, vector<16xf32>,
    %neg3A_1481 = arith.constant 0.000000e+00 : f32
    %neg3A_1482 = vector.broadcast %neg3A_1481 : f32 to vector<16xf32>
    %neg3A_1483 = arith.subf %neg3A_1482, %get3A_1480 : vector<16xf32>
    %exp3A_1484 = math.exp %neg3A_1483 : vector<16xf32>
    %add3A_1485 = arith.constant 1.000000e+00 : f32
    %add3A_1486 = vector.broadcast %add3A_1485 : f32 to vector<16xf32>
    %add3A_1487 = arith.addf %add3A_1486, %exp3A_1484 : vector<16xf32>
    %div3A_1488 = arith.constant 1.000000e+00 : f32
    %div3A_1489 = vector.broadcast %div3A_1488 : f32 to vector<16xf32>
    %div3A_1490 = arith.divf %div3A_1489, %add3A_1487 : vector<16xf32>
    %swap3A_1491 = arith.constant 400 : index
    %swap3A_1492 = tpu.vector_load %arg9[%swap3A_1491] {strides = array<i32>} : memref<512xf32, #tpu.memory_space<vmem>>, vector<16xf32>,
    tpu.vector_store %arg9[%swap3A_1491], %div3A_1490 {strides = array<i32>} : memref<512xf32, #tpu.memory_space<vmem>>, vector<16xf32>,
    %get3A_1493 = arith.constant 416 : index
    %get3A_1494 = tpu.vector_load %arg9[%get3A_1493] {strides = array<i32>} : memref<512xf32, #tpu.memory_space<vmem>>, vector<16xf32>,
    %neg3A_1495 = arith.constant 0.000000e+00 : f32
    %neg3A_1496 = vector.broadcast %neg3A_1495 : f32 to vector<16xf32>
    %neg3A_1497 = arith.subf %neg3A_1496, %get3A_1494 : vector<16xf32>
    %exp3A_1498 = math.exp %neg3A_1497 : vector<16xf32>
    %add3A_1499 = arith.constant 1.000000e+00 : f32
    %add3A_1500 = vector.broadcast %add3A_1499 : f32 to vector<16xf32>
    %add3A_1501 = arith.addf %add3A_1500, %exp3A_1498 : vector<16xf32>
    %div3A_1502 = arith.constant 1.000000e+00 : f32
    %div3A_1503 = vector.broadcast %div3A_1502 : f32 to vector<16xf32>
    %div3A_1504 = arith.divf %div3A_1503, %add3A_1501 : vector<16xf32>
    %swap3A_1505 = arith.constant 416 : index
    %swap3A_1506 = tpu.vector_load %arg9[%swap3A_1505] {strides = array<i32>} : memref<512xf32, #tpu.memory_space<vmem>>, vector<16xf32>,
    tpu.vector_store %arg9[%swap3A_1505], %div3A_1504 {strides = array<i32>} : memref<512xf32, #tpu.memory_space<vmem>>, vector<16xf32>,
    %get3A_1507 = arith.constant 432 : index
    %get3A_1508 = tpu.vector_load %arg9[%get3A_1507] {strides = array<i32>} : memref<512xf32, #tpu.memory_space<vmem>>, vector<16xf32>,
    %neg3A_1509 = arith.constant 0.000000e+00 : f32
    %neg3A_1510 = vector.broadcast %neg3A_1509 : f32 to vector<16xf32>
    %neg3A_1511 = arith.subf %neg3A_1510, %get3A_1508 : vector<16xf32>
    %exp3A_1512 = math.exp %neg3A_1511 : vector<16xf32>
    %add3A_1513 = arith.constant 1.000000e+00 : f32
    %add3A_1514 = vector.broadcast %add3A_1513 : f32 to vector<16xf32>
    %add3A_1515 = arith.addf %add3A_1514, %exp3A_1512 : vector<16xf32>
    %div3A_1516 = arith.constant 1.000000e+00 : f32
    %div3A_1517 = vector.broadcast %div3A_1516 : f32 to vector<16xf32>
    %div3A_1518 = arith.divf %div3A_1517, %add3A_1515 : vector<16xf32>
    %swap3A_1519 = arith.constant 432 : index
    %swap3A_1520 = tpu.vector_load %arg9[%swap3A_1519] {strides = array<i32>} : memref<512xf32, #tpu.memory_space<vmem>>, vector<16xf32>,
    tpu.vector_store %arg9[%swap3A_1519], %div3A_1518 {strides = array<i32>} : memref<512xf32, #tpu.memory_space<vmem>>, vector<16xf32>,
    %get3A_1521 = arith.constant 448 : index
    %get3A_1522 = tpu.vector_load %arg9[%get3A_1521] {strides = array<i32>} : memref<512xf32, #tpu.memory_space<vmem>>, vector<16xf32>,
    %neg3A_1523 = arith.constant 0.000000e+00 : f32
    %neg3A_1524 = vector.broadcast %neg3A_1523 : f32 to vector<16xf32>
    %neg3A_1525 = arith.subf %neg3A_1524, %get3A_1522 : vector<16xf32>
    %exp3A_1526 = math.exp %neg3A_1525 : vector<16xf32>
    %add3A_1527 = arith.constant 1.000000e+00 : f32
    %add3A_1528 = vector.broadcast %add3A_1527 : f32 to vector<16xf32>
    %add3A_1529 = arith.addf %add3A_1528, %exp3A_1526 : vector<16xf32>
    %div3A_1530 = arith.constant 1.000000e+00 : f32
    %div3A_1531 = vector.broadcast %div3A_1530 : f32 to vector<16xf32>
    %div3A_1532 = arith.divf %div3A_1531, %add3A_1529 : vector<16xf32>
    %swap3A_1533 = arith.constant 448 : index
    %swap3A_1534 = tpu.vector_load %arg9[%swap3A_1533] {strides = array<i32>} : memref<512xf32, #tpu.memory_space<vmem>>, vector<16xf32>,
    tpu.vector_store %arg9[%swap3A_1533], %div3A_1532 {strides = array<i32>} : memref<512xf32, #tpu.memory_space<vmem>>, vector<16xf32>,
    %get3A_1535 = arith.constant 464 : index
    %get3A_1536 = tpu.vector_load %arg9[%get3A_1535] {strides = array<i32>} : memref<512xf32, #tpu.memory_space<vmem>>, vector<16xf32>,
    %neg3A_1537 = arith.constant 0.000000e+00 : f32
    %neg3A_1538 = vector.broadcast %neg3A_1537 : f32 to vector<16xf32>
    %neg3A_1539 = arith.subf %neg3A_1538, %get3A_1536 : vector<16xf32>
    %exp3A_1540 = math.exp %neg3A_1539 : vector<16xf32>
    %add3A_1541 = arith.constant 1.000000e+00 : f32
    %add3A_1542 = vector.broadcast %add3A_1541 : f32 to vector<16xf32>
    %add3A_1543 = arith.addf %add3A_1542, %exp3A_1540 : vector<16xf32>
    %div3A_1544 = arith.constant 1.000000e+00 : f32
    %div3A_1545 = vector.broadcast %div3A_1544 : f32 to vector<16xf32>
    %div3A_1546 = arith.divf %div3A_1545, %add3A_1543 : vector<16xf32>
    %swap3A_1547 = arith.constant 464 : index
    %swap3A_1548 = tpu.vector_load %arg9[%swap3A_1547] {strides = array<i32>} : memref<512xf32, #tpu.memory_space<vmem>>, vector<16xf32>,
    tpu.vector_store %arg9[%swap3A_1547], %div3A_1546 {strides = array<i32>} : memref<512xf32, #tpu.memory_space<vmem>>, vector<16xf32>,
    %get3A_1549 = arith.constant 480 : index
    %get3A_1550 = tpu.vector_load %arg9[%get3A_1549] {strides = array<i32>} : memref<512xf32, #tpu.memory_space<vmem>>, vector<16xf32>,
    %neg3A_1551 = arith.constant 0.000000e+00 : f32
    %neg3A_1552 = vector.broadcast %neg3A_1551 : f32 to vector<16xf32>
    %neg3A_1553 = arith.subf %neg3A_1552, %get3A_1550 : vector<16xf32>
    %exp3A_1554 = math.exp %neg3A_1553 : vector<16xf32>
    %add3A_1555 = arith.constant 1.000000e+00 : f32
    %add3A_1556 = vector.broadcast %add3A_1555 : f32 to vector<16xf32>
    %add3A_1557 = arith.addf %add3A_1556, %exp3A_1554 : vector<16xf32>
    %div3A_1558 = arith.constant 1.000000e+00 : f32
    %div3A_1559 = vector.broadcast %div3A_1558 : f32 to vector<16xf32>
    %div3A_1560 = arith.divf %div3A_1559, %add3A_1557 : vector<16xf32>
    %swap3A_1561 = arith.constant 480 : index
    %swap3A_1562 = tpu.vector_load %arg9[%swap3A_1561] {strides = array<i32>} : memref<512xf32, #tpu.memory_space<vmem>>, vector<16xf32>,
    tpu.vector_store %arg9[%swap3A_1561], %div3A_1560 {strides = array<i32>} : memref<512xf32, #tpu.memory_space<vmem>>, vector<16xf32>,
    %get3A_1563 = arith.constant 496 : index
    %get3A_1564 = tpu.vector_load %arg9[%get3A_1563] {strides = array<i32>} : memref<512xf32, #tpu.memory_space<vmem>>, vector<16xf32>,
    %neg3A_1565 = arith.constant 0.000000e+00 : f32
    %neg3A_1566 = vector.broadcast %neg3A_1565 : f32 to vector<16xf32>
    %neg3A_1567 = arith.subf %neg3A_1566, %get3A_1564 : vector<16xf32>
    %exp3A_1568 = math.exp %neg3A_1567 : vector<16xf32>
    %add3A_1569 = arith.constant 1.000000e+00 : f32
    %add3A_1570 = vector.broadcast %add3A_1569 : f32 to vector<16xf32>
    %add3A_1571 = arith.addf %add3A_1570, %exp3A_1568 : vector<16xf32>
    %div3A_1572 = arith.constant 1.000000e+00 : f32
    %div3A_1573 = vector.broadcast %div3A_1572 : f32 to vector<16xf32>
    %div3A_1574 = arith.divf %div3A_1573, %add3A_1571 : vector<16xf32>
    %swap3A_1575 = arith.constant 496 : index
    %swap3A_1576 = tpu.vector_load %arg9[%swap3A_1575] {strides = array<i32>} : memref<512xf32, #tpu.memory_space<vmem>>, vector<16xf32>,
    tpu.vector_store %arg9[%swap3A_1575], %div3A_1574 {strides = array<i32>} : memref<512xf32, #tpu.memory_space<vmem>>, vector<16xf32>,
    %add3A_1577 = arith.constant 384 : i32
    %add3A_1578 = arith.addi %mul3A_2, %add3A_1577 : i32
    %dma_start3A_1579 = arith.constant 384 : i32
    %dma_start3A_1580 = tpu.memref_slice %arg9[%dma_start3A_1579] : memref<512xf32, #tpu.memory_space<vmem>> -> memref<128xf32, #tpu.memory_space<vmem>>
    %dma_start3A_1581 = tpu.memref_slice %arg5[%add3A_1578] : memref<16384xf32, #tpu.memory_space<hbm>> -> memref<128xf32, #tpu.memory_space<hbm>>
    %dma_start3A_1582 = tpu.memref_slice %arg5[%add3A_1578] : memref<16384xf32, #tpu.memory_space<hbm>> -> memref<128xf32, #tpu.memory_space<hbm>>
    %dma_start3A_1583 = arith.constant 384 : i32
    %dma_start3A_1584 = tpu.memref_slice %arg9[%dma_start3A_1583] : memref<512xf32, #tpu.memory_space<vmem>> -> memref<128xf32, #tpu.memory_space<vmem>>
    tpu.enqueue_dma source(%dma_start3A_1584 : memref<128xf32, #tpu.memory_space<vmem>>) target(%dma_start3A_1582 : memref<128xf32, #tpu.memory_space<hbm>>) target_semaphore(%arg18 : memref<!tpu.dma_semaphore, #tpu.memory_space<semaphore_mem>>)
    %dma_wait3A_1585 = arith.constant 0 : i32
    %dma_wait3A_1586 = tpu.memref_slice %arg9[%dma_wait3A_1585] : memref<512xf32, #tpu.memory_space<vmem>> -> memref<128xf32, #tpu.memory_space<vmem>>
    %dma_wait3A_1587 = tpu.memref_slice %arg5[%add3A_1200] : memref<16384xf32, #tpu.memory_space<hbm>> -> memref<128xf32, #tpu.memory_space<hbm>>
    %dma_wait3A_1588 = tpu.memref_slice %arg5[%add3A_1200] : memref<16384xf32, #tpu.memory_space<hbm>> -> memref<128xf32, #tpu.memory_space<hbm>>
    %dma_wait3A_1589 = arith.constant 0 : i32
    %dma_wait3A_1590 = tpu.memref_slice %arg9[%dma_wait3A_1589] : memref<512xf32, #tpu.memory_space<vmem>> -> memref<128xf32, #tpu.memory_space<vmem>>
    tpu.wait_dma2 semaphore(%arg18 : memref<!tpu.dma_semaphore, #tpu.memory_space<semaphore_mem>>) src(%dma_wait3A_1590 : memref<128xf32, #tpu.memory_space<vmem>>) dst(%dma_wait3A_1588 : memref<128xf32, #tpu.memory_space<hbm>>)
    %dma_wait3A_1591 = arith.constant 128 : i32
    %dma_wait3A_1592 = tpu.memref_slice %arg9[%dma_wait3A_1591] : memref<512xf32, #tpu.memory_space<vmem>> -> memref<128xf32, #tpu.memory_space<vmem>>
    %dma_wait3A_1593 = tpu.memref_slice %arg5[%add3A_1326] : memref<16384xf32, #tpu.memory_space<hbm>> -> memref<128xf32, #tpu.memory_space<hbm>>
    %dma_wait3A_1594 = tpu.memref_slice %arg5[%add3A_1326] : memref<16384xf32, #tpu.memory_space<hbm>> -> memref<128xf32, #tpu.memory_space<hbm>>
    %dma_wait3A_1595 = arith.constant 128 : i32
    %dma_wait3A_1596 = tpu.memref_slice %arg9[%dma_wait3A_1595] : memref<512xf32, #tpu.memory_space<vmem>> -> memref<128xf32, #tpu.memory_space<vmem>>
    tpu.wait_dma2 semaphore(%arg18 : memref<!tpu.dma_semaphore, #tpu.memory_space<semaphore_mem>>) src(%dma_wait3A_1596 : memref<128xf32, #tpu.memory_space<vmem>>) dst(%dma_wait3A_1594 : memref<128xf32, #tpu.memory_space<hbm>>)
    %dma_wait3A_1597 = arith.constant 256 : i32
    %dma_wait3A_1598 = tpu.memref_slice %arg9[%dma_wait3A_1597] : memref<512xf32, #tpu.memory_space<vmem>> -> memref<128xf32, #tpu.memory_space<vmem>>
    %dma_wait3A_1599 = tpu.memref_slice %arg5[%add3A_1452] : memref<16384xf32, #tpu.memory_space<hbm>> -> memref<128xf32, #tpu.memory_space<hbm>>
    %dma_wait3A_1600 = tpu.memref_slice %arg5[%add3A_1452] : memref<16384xf32, #tpu.memory_space<hbm>> -> memref<128xf32, #tpu.memory_space<hbm>>
    %dma_wait3A_1601 = arith.constant 256 : i32
    %dma_wait3A_1602 = tpu.memref_slice %arg9[%dma_wait3A_1601] : memref<512xf32, #tpu.memory_space<vmem>> -> memref<128xf32, #tpu.memory_space<vmem>>
    tpu.wait_dma2 semaphore(%arg18 : memref<!tpu.dma_semaphore, #tpu.memory_space<semaphore_mem>>) src(%dma_wait3A_1602 : memref<128xf32, #tpu.memory_space<vmem>>) dst(%dma_wait3A_1600 : memref<128xf32, #tpu.memory_space<hbm>>)
    %dma_wait3A_1603 = arith.constant 384 : i32
    %dma_wait3A_1604 = tpu.memref_slice %arg9[%dma_wait3A_1603] : memref<512xf32, #tpu.memory_space<vmem>> -> memref<128xf32, #tpu.memory_space<vmem>>
    %dma_wait3A_1605 = tpu.memref_slice %arg5[%add3A_1578] : memref<16384xf32, #tpu.memory_space<hbm>> -> memref<128xf32, #tpu.memory_space<hbm>>
    %dma_wait3A_1606 = tpu.memref_slice %arg5[%add3A_1578] : memref<16384xf32, #tpu.memory_space<hbm>> -> memref<128xf32, #tpu.memory_space<hbm>>
    %dma_wait3A_1607 = arith.constant 384 : i32
    %dma_wait3A_1608 = tpu.memref_slice %arg9[%dma_wait3A_1607] : memref<512xf32, #tpu.memory_space<vmem>> -> memref<128xf32, #tpu.memory_space<vmem>>
    tpu.wait_dma2 semaphore(%arg18 : memref<!tpu.dma_semaphore, #tpu.memory_space<semaphore_mem>>) src(%dma_wait3A_1608 : memref<128xf32, #tpu.memory_space<vmem>>) dst(%dma_wait3A_1606 : memref<128xf32, #tpu.memory_space<hbm>>)
    return
  }
}

</mosaic_0001>

<sc_bundles>
// kernel: kernel.3.cloned.1.call-start
scs
__scs_entry_jumppad:
0x0: {  	(pc) =	sbr.rel $0x88, $3  }
0x1: {  	(tag) =	ssettag $0x0;
	lr =	simm.s32 $0x1  }
0x2: {  	[smem:$0x3F9E] =	sst lr;
	_ =	strace $0xD0000000  }
0x3: {  	_ = 	snop  }
0x4: {  	_ = 	snop  }
0x5: {  	_ = 	snop  }
0x6: {  	_ = 	snop  }
0x7: {  	_ = 	snop  }
__scs_overlays_trampoline_lowered:
0x8: {  	[smem:$0x3FAD] =	sst s0  }
0x9: {  	[smem:$0x3FAE] =	sst s1  }
0xa: {  	[smem:$0x3FAF] =	sst s2  }
0xb: {  	[smem:$0x3FB0] =	sst s3  }
0xc: {  	[smem:$0x3FB1] =	sst s4  }
0xd: {  	[smem:$0x3FB2] =	sst s5  }
0xe: {  	[smem:$0x3FB3] =	sst s6  }
0xf: {  	[smem:$0x3FB4] =	sst s7  }
0x10: {  	[smem:$0x3FB5] =	sst s8  }
0x11: {  	[smem:$0x3FB6] =	sst s9;
	s0 =	simm.s32 @!p0 $0x0  }
0x12: {  	s1 =	sld [smem:$0x3F9C];
	s0 =	simm.s32 @p0 $0x1  }
0x13: {  	[smem:$0x3FB7] =	sst s0;
	s0 =	simm.s32 @!p1 $0x0  }
0x14: {  	s2 =	sld [smem:$0x3F9B];
	s0 =	simm.s32 @p1 $0x1  }
0x15: {  	[smem:$0x3FB8] =	sst s0;
	s0 =	simm.s32 @!p2 $0x0  }
0x16: {  	s3 =	sld [smem:$0x3FDB];
	s0 =	simm.s32 @p2 $0x1  }
0x17: {  	s4 =	simm.s32 $0x1BF5;
	[smem:$0x3FBA] =	sst s0  }
0x18: {  	s0 =	sld [smem:$0x3F9D];
	_ =	swait.ge [sflag:s4], $0x0  }
0x19: {  	s7 =	sld [smem:$0x3F9E]  }
0x1a: {  	s8 =	sadd.s32 $0xFFFFE003, lr  }
0x1b: {  	s9 =	sadd.s32 $0xFFFFFEF7, lr;
	s5 =	simm.s32 $0xFFFFFFFF;
	p2 =	slt.u32 s8, $0xFFFFF086  }
0x1c: {  	p1 =	slt.u32 s9, $0xF7A;
	s5 =	simm.s32 @!p2 $0x0  }
0x1d: {  	s5 =	simm.s32 @p1 $0x1;
	p0 =	seq.s32 s7, s2  }
0x1e: {  	s7 =	smul.u32 @!p0 $0xF7A, s2;
	p2 =	seq.s32 @!p0 s5, $0x0  }
0x1f: {  	s9 =	smul.u32 $0xF7A, s1;
	s8 =	simm.s32 @!p0 $0x1BF5;
	p2 =	por !p2, p0  }
0x20: {  	[sflag:s8] =	ssyncset.s32 @!p0 $0xFFFFF086;
	s6 =	sadd.s32 @!p0 s3, s7;
	s7 =	simm.s32 @!p0 $0x108  }
0x21: {  	s3 =	sadd.s32 s3, s9;
	s6 =	sadd.s32 @!p0 $0x88, s6;
	s7 =	simm.s32 @p2 $0x1082  }
0x22: {  	[simem:s7], [sflag:s8] =	dma.local @!p0 [hbm:s6], $0xF7A  }
0x23: {  	s9 =	sor.u32 $0xD0000000, s2;
	s6 =	simm.s32 $0x108;
	_ =	swait.ge @!p0 [sflag:s8], $0x0  }
0x24: {  	s3 =	sadd.s32 $0x88, s3;
	s6 =	simm.s32 @!p1 $0x1082;
	[sflag:s4] =	ssyncset.s32 $0xFFFFF086  }
0x25: {  	[simem:s6], [sflag:s4] =	dma.local [hbm:s3], $0xF7A  }
0x26: {  	[smem:$0x3F9E] =	sst s1;
	(tag) =	ssettag s2;
	_ =	strace s9  }
0x27: {  	s1 =	sld [smem:$0x3FAE]  }
0x28: {  	s2 =	sld [smem:$0x3FAF]  }
0x29: {  	s4 =	sld [smem:$0x3FB1]  }
0x2a: {  	p0 =	seq.s32 s5, $0x0;
	s5 =	sld [smem:$0x3FB2]  }
0x2b: {  	s6 =	sld [smem:$0x3FB3]  }
0x2c: {  	s7 =	sld [smem:$0x3FB4]  }
0x2d: {  	s3 =	simm.s32 $0x108;
	s8 =	sld [smem:$0x3FB5]  }
0x2e: {  	s3 =	simm.s32 @!p0 $0x1082;
	s9 =	sld [smem:$0x3FB6]  }
0x2f: {  	lr =	sadd.s32 s0, s3;
	s0 =	sld [smem:$0x3FAD]  }
0x30: {  	s3 =	sld [smem:$0x3FB0]  }
0x31: {  	[smem:$0x3FB9] =	sst s10  }
0x32: {  	s10 =	sld [smem:$0x3FB7];
	_ =	sdelay $0x3  }
0x33: {  	p0 =	seq.s32 s10, $0x1;
	s10 =	sld [smem:$0x3FB9];
	_ =	sdelay $0x3  }
0x34: {  	[smem:$0x3FB9] =	sst s10  }
0x35: {  	s10 =	sld [smem:$0x3FB8];
	_ =	sdelay $0x3  }
0x36: {  	p1 =	seq.s32 s10, $0x1;
	s10 =	sld [smem:$0x3FB9];
	_ =	sdelay $0x3  }
0x37: {  	[smem:$0x3FB9] =	sst s10  }
0x38: {  	s10 =	sld [smem:$0x3FBA]  }
0x39: {  	_ = 	snop;
	(pc) =	sbr.ind lr, $3  }
0x3a: {  	_ = 	snop  }
0x3b: {  	_ = 	snop  }
0x3c: {  	p2 =	seq.s32 s10, $0x1;
	s10 =	sld [smem:$0x3FB9]  }
0x3d: {  	_ =	shalt  }
0x3e: {  	_ =	shalt  }
0x3f: {  	_ =	shalt  }
0x40: {  	_ =	shalt  }
0x41: {  	_ =	shalt  }
0x42: {  	_ =	shalt  }
0x43: {  	_ =	shalt  }
0x44: {  	_ =	shalt  }
0x45: {  	_ =	shalt  }
0x46: {  	_ =	shalt  }
0x47: {  	_ =	shalt  }
0x48: {  	_ =	shalt  }
0x49: {  	_ =	shalt  }
0x4a: {  	_ =	shalt  }
0x4b: {  	_ =	shalt  }
0x4c: {  	_ =	shalt  }
0x4d: {  	_ =	shalt  }
0x4e: {  	_ =	shalt  }
0x4f: {  	_ =	shalt  }
0x50: {  	_ =	shalt  }
0x51: {  	_ =	shalt  }
0x52: {  	_ =	shalt  }
0x53: {  	_ =	shalt  }
0x54: {  	_ =	shalt  }
0x55: {  	_ =	shalt  }
0x56: {  	_ =	shalt  }
0x57: {  	_ =	shalt  }
0x58: {  	_ =	shalt  }
0x59: {  	_ =	shalt  }
0x5a: {  	_ =	shalt  }
0x5b: {  	_ =	shalt  }
0x5c: {  	_ =	shalt  }
0x5d: {  	_ =	shalt  }
0x5e: {  	_ =	shalt  }
0x5f: {  	_ =	shalt  }
0x60: {  	_ =	shalt  }
0x61: {  	_ =	shalt  }
0x62: {  	_ =	shalt  }
0x63: {  	_ =	shalt  }
0x64: {  	_ =	shalt  }
0x65: {  	_ =	shalt  }
0x66: {  	_ =	shalt  }
0x67: {  	_ =	shalt  }
0x68: {  	_ =	shalt  }
0x69: {  	_ =	shalt  }
0x6a: {  	_ =	shalt  }
0x6b: {  	_ =	shalt  }
0x6c: {  	_ =	shalt  }
0x6d: {  	_ =	shalt  }
0x6e: {  	_ =	shalt  }
0x6f: {  	_ =	shalt  }
0x70: {  	_ =	shalt  }
0x71: {  	_ =	shalt  }
0x72: {  	_ =	shalt  }
0x73: {  	_ =	shalt  }
0x74: {  	_ =	shalt  }
0x75: {  	_ =	shalt  }
0x76: {  	_ =	shalt  }
0x77: {  	_ =	shalt  }
0x78: {  	_ =	shalt  }
0x79: {  	_ =	shalt  }
0x7a: {  	_ =	shalt  }
0x7b: {  	_ =	shalt  }
0x7c: {  	_ =	shalt  }
0x7d: {  	_ =	shalt  }
0x7e: {  	_ =	shalt  }
0x7f: {  	_ =	shalt  }
0x80: {  	_ =	shalt  }
0x81: {  	_ =	shalt  }
0x82: {  	_ =	shalt  }
0x83: {  	_ =	shalt  }
0x84: {  	_ =	shalt  }
0x85: {  	_ =	shalt  }
0x86: {  	_ =	shalt  }
0x87: {  	_ =	shalt  }
.Lfunc_end0:
.L_simem_size_0:
called_computation_lowered:
.L_overlay_start_0:
0x88: {  	s2 =	sld [smem:$0x3FD9]  }
0x89: {  	s3 =	sld [smem:$0x3FFE];
	_ =	sdelay $0x1  }
0x8a: {  	s1 =	srdreg.scid  }
0x8b: {  	s0 =	sand.u32 $0x1, s1  }
0x8c: {  	s18 =	sshll.u32 s0, $0xA;
	s2 =	sadd.s32 s3, s2  }
0x8d: {  	s2 =	sadd.s32 s2, s18  }
0x8e: {  	[smem:$0x3FC5] =	sst s2  }
0x8f: {  	_ = 	snop  }
0x90: {  	s2 =	sld [smem:$0x3FC9]  }
0x91: {  	s19 =	sld [smem:$0x3FC8]  }
0x92: {  	s4 =	sld [smem:$0x3FC7]  }
0x93: {  	s5 =	sld [smem:$0x3FD0];
	(tm) =	ssettm $0x1  }
0x94: {  	s6 =	sld [smem:$0x3FFB];
	_ =	sdelay $0x3  }
0x95: {  	_ =	strace s6  }
0x96: {  	s6 =	sld [smem:$0x3FFC];
	_ =	sdelay $0x3  }
0x97: {  	_ =	strace s6  }
0x98: {  	s6 =	sld [smem:$0x3FFD];
	_ =	sdelay $0x3  }
0x99: {  	_ =	strace s6  }
0x9a: {  	_ =	strace $0x8FFFFFFF  }
0x9b: {  	s20 =	sld [smem:$0x3FDB];
	_ =	sdelay $0x1  }
0x9c: {  	s7 =	simm.s32 $_scs_section_size  }
0x9d: {  	s8 =	simm.s32 $_size__tile_overlayer_lowered;
	s9 =	simm.s32 $_tile_overlayer_lowered  }
0x9e: {  	s23 =	simm.s32 $0x1BFF;
	s22 =	sshll.u32 s9, $0x1;
	s6 =	sadd.s32 s7, s20  }
0x9f: {  	s10 =	simm.s32 $0x0;
	s21 =	sshll.u32 s8, $0x1;
	s8 =	sadd.s32 s22, s6  }
0xa0: {  	[timem:s10], [sflag:s23] =	dma.local [hbm:s8], s21  }
0xa1: {  	_ =	swait.ge [sflag:s23], s21  }
0xa2: {  	s7 =	ssub.s32 $0x0, s21;
	[sflag:s23] =	ssyncset.done $0x0  }
0xa3: {  	[sflag:s23] =	ssyncadd.s32 s7;
	_ =	sdelay $0x1  }
0xa4: {  	s24 =	simm.s32 $0x1B8B  }
0xa5: {  	_ =	swait.ge [sflag:s24], $0x1  }
0xa6: {  	[sflag:s24] =	ssyncset.done $0x0  }
0xa7: {  	s25 =	simm.s32 $0x1B8E;
	[sflag:s24] =	ssyncadd.s32 $0xFFFFFFFF  }
0xa8: {  	s26 =	simm.s32 $execute0_lowered;
	[smem:$0x3FD2] =	sst s25  }
0xa9: {  	s7 =	sshll.u32 s26, $0x1;
	_ =	strace $0x80000046;
	[dreg:$0x1] =	wrdreg $0xFFFFFFFF  }
0xaa: {  	s28 =	simm.s32 $_size_execute0_lowered;
	s6 =	sadd.s32 s6, s7;
	[dreg:$0x0] =	wrdreg $0x0  }
0xab: {  	s7 =	sshll.u32 s28, $0x1;
	[dreg:$0x2] =	wrdreg s6  }
0xac: {  	[dreg:$0x3] =	wrdreg s7  }
0xad: {  	[dreg:$0x4] =	wrdreg $0xC0  }
0xae: {  	_ =	task [dreg:s10], $0x5FFFF  }
0xaf: {  	[dreg:$0x1] =	wrdreg $0xFFFFFFFF  }
0xb0: {  	[dreg:$0x0] =	wrdreg $0x60  }
0xb1: {  	[dreg:$0x2] =	wrdreg s2  }
0xb2: {  	[dreg:$0x3] =	wrdreg s19  }
0xb3: {  	[dreg:$0x4] =	wrdreg s4  }
0xb4: {  	[dreg:$0x5] =	wrdreg s5  }
0xb5: {  	[dreg:$0x6] =	wrdreg $0x9  }
0xb6: {  	_ =	task.clear_ibuf [dreg:s10], $0x7FFFF;
	_ =	strace $0x90000046  }
0xb7: {  	s29 =	simm.s32 $0x9;
	_ =	strace $0x80000048  }
0xb8: {  	_ =	swait.ge [sflag:s29], $0x1  }
0xb9: {  	[sflag:s29] =	ssyncadd.s32 $0xFFFFFFFF  }
0xba: {  	_ =	strace $0x90000048  }
0xbb: {  	_ =	sfence  }
0xbc: {  	s30 =	sld [smem:$0x0];
	_ =	sdelay $0x2  }
0xbd: {  	s31 =	sshll.u32 s1, $0xD;
	s1 =	sshrl.u32 s1, $0x2  }
0xbe: {  	s3 =	sand.u32 $0x4000, s31;
	s1 =	sadd.s32 s1, s30  }
0xbf: {  	s0 =	sor.u32 s3, s0;
	s1 =	sshll.u32 s1, $0x11  }
0xc0: {  	s0 =	sor.u32 s1, s0  }
0xc1: {  	s0 =	sadd.s32 $0x8F2B, s0  }
0xc2: {  	[sflag:s0] =	ssyncadd.remote.s32 $0x1  }
0xc3: {  	_ =	sfence.sel $0xFFFF  }
0xc4: {  	[dreg:$0x0] =	wrdreg $0xFFFFFFFF;
	(pc) =	sbr.abs _section_cstart, $3  }
0xc5: {  	[dreg:$0x1] =	wrdreg $0xFFFFFFFF  }
0xc6: {  	_ =	task.clear_ibuf [dreg:s10], $0x2FFFF;
	_ =	strace $0x9FFFFFFF  }
0xc7: {  	(tm) =	ssettm $0x7FFFFFFF  }
tec
execute0_lowered:
.L_overlay_start_1:
0x0: {  	(tag) =	ssettag $0x1  }
0x1: {  	s1 =	rddreg [dreg:$0x0]  }
0x2: {  	s0 =	rddreg [dreg:$0x1]  }
0x3: {  	s4 =	rddreg [dreg:$0x2]  }
0x4: {  	s6 =	rddreg [dreg:$0x3]  }
0x5: {  	s3 =	srdreg.scid;
	s2 =	stileid.u32  }
0x6: {  	s12 =	simm.s32 $0x300;
	s13 =	simm.s32 $0x180;
	s14 =	simm.s32 $0x380  }
0x7: {  	s15 =	simm.s32 $0x1;
	s16 =	simm.s32 $0x400;
	s17 =	simm.s32 $0x600  }
0x8: {  	s28 =	simm.s32 $0x5;
	s29 =	simm.s32 $0x6;
	s30 =	simm.s32 $0x7  }
0x9: {  	s31 =	simm.s32 $0x8;
	s5 =	sand.u32 $0x1, s3;
	s3 =	simm.s32 $0x0  }
0xa: {  	s7 =	sshll.u32 s2, $0x7;
	s8 =	sshll.u32 s5, $0x6;
	[smem:$0x7FF] =	sst s3  }
0xb: {  	s5 =	ssub.s32 $0x2, s5;
	s7 =	sor.u32 s8, s7;
	_ =	strace $0x80000047  }
0xc: {  	s24 =	sshrl.u32 s5, $0x1;
	s8 =	sadd.s32 s0, s7;
	s18 =	sadd.s32 s4, s7  }
0xd: {  	s9 =	sor.u32 $0x10, s7;
	s10 =	sor.u32 $0x20, s7;
	s11 =	sor.u32 $0x30, s7  }
0xe: {  	s25 =	sadd.s32 s6, s7;
	s26 =	ssub.s32 s5, s24;
	[dreg:$0x5] =	wrdreg s8  }
0xf: {  	s24 =	simm.s32 $0x4;
	[dreg:$0x6] =	wrdreg s18;
	s19 =	sadd.s32 s0, s9  }
0x10: {  	s20 =	sadd.s32 s4, s9;
	s21 =	sadd.s32 s0, s10;
	[dreg:$0xd] =	wrdreg s25  }
0x11: {  	s22 =	sadd.s32 s4, s10;
	s0 =	sadd.s32 s0, s11;
	[dreg:$0x7] =	wrdreg s19  }
0x12: {  	s23 =	sadd.s32 s4, s11;
	s4 =	sadd.s32 s6, s9;
	[dreg:$0x8] =	wrdreg s20  }
0x13: {  	s5 =	sadd.s32 s6, s10;
	s6 =	sadd.s32 s6, s11;
	[dreg:$0x9] =	wrdreg s21  }
0x14: {  	s7 =	smax.u32 s26, $0x1;
	s9 =	simm.s32 $0x80;
	[dreg:$0xa] =	wrdreg s22  }
0x15: {  	s11 =	simm.s32 $0x100;
	s18 =	simm.s32 $0x2;
	[dreg:$0xb] =	wrdreg s0  }
0x16: {  	s25 =	simm.s32 $0x580;
	s26 =	simm.s32 $0x780;
	[dreg:$0xc] =	wrdreg s23  }
0x17: {  	s19 =	simm.s32 $0x480;
	s20 =	simm.s32 $0x680;
	s21 =	simm.s32 $0x3  }
0x18: {  	s22 =	simm.s32 $0x500;
	s23 =	simm.s32 $0x700;
	s0 =	simm.s32 $0x9  }
.LBB2_1:
0x19: {  	s2 =	rddreg [dreg:$0x5]  }
0x1a: {  	[tilespmem:s3], [sflag:$0x1] =	stream.linear.gather [hbm4b:s2+s3], $0x80, $0x38;
	[tilespmem:$0x800] =	vst v63  }
0x1b: {  	s8 =	rddreg [dreg:$0x6];
	s10 =	simm.s32 $0x200  }
0x1c: {  	[tilespmem:s10], [sflag:$0x1] =	stream.linear.gather [hbm4b:s8+s3], $0x80, $0x38;
	[tilespmem:$0x800] =	vst v63  }
0x1d: {  	s2 =	rddreg [dreg:$0x7]  }
0x1e: {  	[tilespmem:s9], [sflag:$0x2] =	stream.linear.gather [hbm4b:s2+s3], $0x80, $0x38;
	[tilespmem:$0x800] =	vst v63  }
0x1f: {  	s8 =	rddreg [dreg:$0x8];
	s10 =	simm.s32 $0x280  }
0x20: {  	[tilespmem:s10], [sflag:$0x2] =	stream.linear.gather [hbm4b:s8+s3], $0x80, $0x38;
	[tilespmem:$0x800] =	vst v63  }
0x21: {  	s2 =	rddreg [dreg:$0x9]  }
0x22: {  	[tilespmem:s11], [sflag:$0x3] =	stream.linear.gather [hbm4b:s2+s3], $0x80, $0x38;
	[tilespmem:$0x800] =	vst v63  }
0x23: {  	s10 =	rddreg [dreg:$0xa]  }
0x24: {  	[tilespmem:s12], [sflag:$0x3] =	stream.linear.gather [hbm4b:s10+s3], $0x80, $0x38;
	[tilespmem:$0x800] =	vst v63  }
0x25: {  	s2 =	rddreg [dreg:$0xb]  }
0x26: {  	[tilespmem:s13], [sflag:$0x4] =	stream.linear.gather [hbm4b:s2+s3], $0x80, $0x38;
	[tilespmem:$0x800] =	vst v63  }
0x27: {  	s10 =	rddreg [dreg:$0xc]  }
0x28: {  	[tilespmem:s14], [sflag:$0x4] =	stream.linear.gather [hbm4b:s10+s3], $0x80, $0x38;
	[tilespmem:$0x800] =	vst v63  }
0x29: {  	_ =	swait.ge [sflag:s15], $0x80  }
0x2a: {  	[sflag:s15] =	ssyncset.done $0x0  }
0x2b: {  	[sflag:s15] =	ssyncadd.s32 $0xFFFFFF80  }
0x2c: {  	_ =	swait.ge [sflag:s15], $0x80  }
0x2d: {  	[sflag:s15] =	ssyncset.done $0x0  }
0x2e: {  	[sflag:s15] =	ssyncadd.s32 $0xFFFFFF80  }
0x2f: {  	v0 =	vld [tilespmem:$0x0]  }
0x30: {  	v1 =	vld [tilespmem:$0x200]  }
0x31: {  	v2 =	vld [tilespmem:$0x10]  }
0x32: {  	v3 =	vld [tilespmem:$0x210]  }
0x33: {  	v6 =	vld [tilespmem:$0x20]  }
0x34: {  	v7 =	vld [tilespmem:$0x220]  }
0x35: {  	v8 =	vld [tilespmem:$0x30]  }
0x36: {  	v55 =	vld [tilespmem:$0x230]  }
0x37: {  	v10 =	vld [tilespmem:$0x40]  }
0x38: {  	v57 =	vld [tilespmem:$0x240]  }
0x39: {  	v63 =	vld [tilespmem:$0x50]  }
0x3a: {  	v11 =	vld [tilespmem:$0x250];
	v4 =	vshll.u32 v0, $0xD  }
0x3b: {  	v17 =	vld [tilespmem:$0x60];
	v5 =	vshll.u32 v1, $0x3;
	v0 =	vshll.u32 v0, $0x7;
	v53 =	vshll.u32 v2, $0xD  }
0x3c: {  	v19 =	vld [tilespmem:$0x260];
	v54 =	vshll.u32 v3, $0x3;
	v2 =	vshll.u32 v2, $0x7;
	v1 =	vand.u32 $0x7F, v1  }
0x3d: {  	v21 =	vld [tilespmem:$0x270];
	v56 =	vshll.u32 v6, $0xD;
	v9 =	vshll.u32 v7, $0x3;
	v6 =	vshll.u32 v6, $0x7  }
0x3e: {  	v3 =	vand.u32 $0x7F, v3;
	v60 =	vand.u32 $0x7F, v7;
	v61 =	vshll.u32 v8, $0xD  }
0x3f: {  	v62 =	vshll.u32 v55, $0x3;
	v8 =	vshll.u32 v8, $0x7;
	v14 =	vshll.u32 v10, $0xD  }
0x40: {  	v15 =	vshll.u32 v57, $0x3;
	v16 =	vshll.u32 v10, $0x7;
	v20 =	vshll.u32 v63, $0xD  }
0x41: {  	v7 =	vshll.u32 v63, $0x7;
	v23 =	vand.u32 $0x7F, v11;
	v24 =	vshll.u32 v17, $0xD  }
0x42: {  	v25 =	vshll.u32 v19, $0x3;
	v28 =	vshll.u32 v17, $0x7;
	v32 =	vshll.u32 v21, $0x3  }
0x43: {  	v35 =	vand.u32 $0x7F, v19;
	v4 =	vand.u32 $0xFFFF0000, v4;
	v5 =	vand.u32 $0xFFFFFC00, v5  }
0x44: {  	v0 =	vand.u32 $0x380, v0;
	v2 =	vand.u32 $0x380, v2;
	v9 =	vand.u32 $0xFFFFFC00, v9  }
0x45: {  	v6 =	vand.u32 $0x380, v6;
	v13 =	vand.u32 $0x380, v8;
	v4 =	vadd.s32 v4, v5  }
0x46: {  	v5 =	vand.u32 $0xFFFFFC00, v54;
	v0 =	vor.u32 v0, v4;
	v4 =	vand.u32 $0xFFFF0000, v53  }
0x47: {  	v18 =	vand.u32 $0x380, v16;
	v7 =	vand.u32 $0x380, v7;
	v4 =	vadd.s32 v4, v5  }
0x48: {  	v26 =	vand.u32 $0xFFFF0000, v24;
	v2 =	vor.u32 v2, v4;
	v4 =	vand.u32 $0xFFFF0000, v56  }
0x49: {  	v27 =	vand.u32 $0xFFFFFC00, v25;
	v30 =	vand.u32 $0x380, v28;
	v4 =	vadd.s32 v4, v9  }
0x4a: {  	v59 =	vor.u32 v6, v4;
	v4 =	vand.u32 $0xFFFF0000, v61;
	v6 =	vand.u32 $0xFFFFFC00, v62  }
0x4b: {  	v33 =	vand.u32 $0xFFFFFC00, v32;
	v0 =	vor.u32 v1, v0;
	v12 =	vadd.s32 v4, v6  }
0x4c: {  	[tilespmem:$0x400] =	vst v0;
	v0 =	vadd.s32 v26, v27;
	v58 =	vor.u32 v3, v2;
	v3 =	vor.u32 v13, v12;
	v13 =	vld [tilespmem:$0x70]  }
0x4d: {  	v5 =	vand.u32 $0x7F, v55;
	v9 =	vand.u32 $0x7F, v57;
	v0 =	vor.u32 v30, v0  }
0x4e: {  	v0 =	vor.u32 v35, v0;
	v4 =	vand.u32 $0xFFFF0000, v14;
	v6 =	vand.u32 $0xFFFFFC00, v15  }
0x4f: {  	v2 =	vor.u32 v60, v59;
	v4 =	vadd.s32 v4, v6;
	v12 =	vshll.u32 v11, $0x3  }
0x50: {  	[tilespmem:$0x410] =	vst v58;
	v6 =	vand.u32 $0xFFFF0000, v20;
	v4 =	vor.u32 v18, v4;
	v12 =	vand.u32 $0xFFFFFC00, v12  }
0x51: {  	[tilespmem:$0x460] =	vst v0;
	v3 =	vor.u32 v5, v3;
	v6 =	vadd.s32 v6, v12;
	v31 =	vshll.u32 v13, $0xD  }
0x52: {  	[tilespmem:$0x420] =	vst v2;
	v4 =	vor.u32 v9, v4;
	v34 =	vshll.u32 v13, $0x7;
	v2 =	vand.u32 $0xFFFF0000, v31  }
0x53: {  	[tilespmem:$0x430] =	vst v3;
	v22 =	vor.u32 v7, v6;
	v36 =	vand.u32 $0x380, v34;
	v2 =	vadd.s32 v2, v33  }
0x54: {  	v38 =	vand.u32 $0x7F, v21;
	[tilespmem:$0x440] =	vst v4;
	v29 =	vor.u32 v23, v22;
	v37 =	vor.u32 v36, v2  }
0x55: {  	[tilespmem:$0x450] =	vst v29;
	v39 =	vor.u32 v38, v37  }
0x56: {  	[tilespmem:$0x470] =	vst v39  }
0x57: {  	[tilespmem:s17], [sflag:$0x5] =	stream.indirect.gather [hbm4b:s1+s9], $0x1, s16, s9, $0xb8;
	[tilespmem:$0x800] =	vst v63  }
0x58: {  	_ =	swait.ge [sflag:s18], $0x80  }
0x59: {  	[sflag:s18] =	ssyncset.done $0x0  }
0x5a: {  	[sflag:s18] =	ssyncadd.s32 $0xFFFFFF80  }
0x5b: {  	_ =	swait.ge [sflag:s18], $0x80  }
0x5c: {  	[sflag:s18] =	ssyncset.done $0x0  }
0x5d: {  	[sflag:s18] =	ssyncadd.s32 $0xFFFFFF80  }
0x5e: {  	v40 =	vld [tilespmem:$0x80]  }
0x5f: {  	v41 =	vld [tilespmem:$0x280]  }
0x60: {  	v42 =	vld [tilespmem:$0x90]  }
0x61: {  	v43 =	vld [tilespmem:$0x290]  }
0x62: {  	v46 =	vld [tilespmem:$0xA0]  }
0x63: {  	v47 =	vld [tilespmem:$0x2A0]  }
0x64: {  	v50 =	vld [tilespmem:$0xB0]  }
0x65: {  	v51 =	vld [tilespmem:$0x2B0]  }
0x66: {  	v54 =	vld [tilespmem:$0xC0]  }
0x67: {  	v55 =	vld [tilespmem:$0x2C0]  }
0x68: {  	v61 =	vld [tilespmem:$0xD0]  }
0x69: {  	v62 =	vld [tilespmem:$0x2D0];
	v44 =	vshll.u32 v40, $0xD  }
0x6a: {  	v16 =	vld [tilespmem:$0xE0];
	v45 =	vshll.u32 v41, $0x3;
	v0 =	vshll.u32 v40, $0x7;
	v48 =	vshll.u32 v42, $0xD  }
0x6b: {  	v18 =	vld [tilespmem:$0x2E0];
	v49 =	vshll.u32 v43, $0x3;
	v2 =	vshll.u32 v42, $0x7;
	v1 =	vand.u32 $0x7F, v41  }
0x6c: {  	v21 =	vld [tilespmem:$0xF0];
	v52 =	vshll.u32 v46, $0xD;
	v53 =	vshll.u32 v47, $0x3;
	v6 =	vshll.u32 v46, $0x7  }
0x6d: {  	v22 =	vld [tilespmem:$0x2F0];
	v3 =	vand.u32 $0x7F, v43;
	v58 =	vand.u32 $0x7F, v47;
	v59 =	vshll.u32 v50, $0xD  }
0x6e: {  	v60 =	vshll.u32 v51, $0x3;
	v8 =	vshll.u32 v50, $0x7;
	v13 =	vshll.u32 v54, $0xD  }
0x6f: {  	v14 =	vshll.u32 v55, $0x3;
	v15 =	vshll.u32 v54, $0x7;
	v19 =	vshll.u32 v61, $0xD  }
0x70: {  	v20 =	vshll.u32 v62, $0x3;
	v7 =	vshll.u32 v61, $0x7;
	v24 =	vand.u32 $0x7F, v62  }
0x71: {  	v25 =	vshll.u32 v16, $0xD;
	v26 =	vshll.u32 v18, $0x3;
	v29 =	vshll.u32 v16, $0x7  }
0x72: {  	v32 =	vshll.u32 v21, $0xD;
	v33 =	vshll.u32 v22, $0x3;
	v35 =	vshll.u32 v21, $0x7  }
0x73: {  	v36 =	vand.u32 $0x7F, v18;
	v4 =	vand.u32 $0xFFFF0000, v44;
	v5 =	vand.u32 $0xFFFFFC00, v45  }
0x74: {  	v0 =	vand.u32 $0x380, v0;
	v2 =	vand.u32 $0x380, v2;
	v9 =	vand.u32 $0xFFFFFC00, v53  }
0x75: {  	v6 =	vand.u32 $0x380, v6;
	v12 =	vand.u32 $0x380, v8;
	v17 =	vand.u32 $0x380, v15  }
0x76: {  	v7 =	vand.u32 $0x380, v7;
	v27 =	vand.u32 $0xFFFF0000, v25;
	v28 =	vand.u32 $0xFFFFFC00, v26  }
0x77: {  	v31 =	vand.u32 $0x380, v29;
	v34 =	vand.u32 $0xFFFFFC00, v33;
	v4 =	vadd.s32 v4, v5  }
0x78: {  	v5 =	vand.u32 $0xFFFFFC00, v49;
	v0 =	vor.u32 v0, v4;
	v4 =	vand.u32 $0xFFFF0000, v48  }
0x79: {  	v37 =	vand.u32 $0x380, v35;
	v4 =	vadd.s32 v4, v5;
	v0 =	vor.u32 v1, v0  }
0x7a: {  	v5 =	vand.u32 $0x7F, v51;
	v2 =	vor.u32 v2, v4;
	v4 =	vand.u32 $0xFFFF0000, v52  }
0x7b: {  	[tilespmem:$0x480] =	vst v0;
	v0 =	vadd.s32 v27, v28;
	v4 =	vadd.s32 v4, v9;
	v56 =	vor.u32 v3, v2  }
0x7c: {  	v9 =	vand.u32 $0x7F, v55;
	v0 =	vor.u32 v31, v0;
	v57 =	vor.u32 v6, v4  }
0x7d: {  	v4 =	vand.u32 $0xFFFF0000, v59;
	v6 =	vand.u32 $0xFFFFFC00, v60;
	v0 =	vor.u32 v36, v0  }
0x7e: {  	v63 =	vadd.s32 v4, v6;
	v4 =	vand.u32 $0xFFFF0000, v13;
	v6 =	vand.u32 $0xFFFFFC00, v14  }
0x7f: {  	[tilespmem:$0x490] =	vst v56;
	v2 =	vor.u32 v58, v57;
	v3 =	vor.u32 v12, v63;
	v4 =	vadd.s32 v4, v6  }
0x80: {  	v6 =	vand.u32 $0xFFFF0000, v19;
	v12 =	vand.u32 $0xFFFFFC00, v20;
	[tilespmem:$0x4A0] =	vst v2;
	v2 =	vand.u32 $0xFFFF0000, v32  }
0x81: {  	[tilespmem:$0x4E0] =	vst v0;
	v4 =	vor.u32 v17, v4;
	v6 =	vadd.s32 v6, v12;
	v3 =	vor.u32 v5, v3  }
0x82: {  	v2 =	vadd.s32 v2, v34;
	v4 =	vor.u32 v9, v4;
	v23 =	vor.u32 v7, v6;
	[tilespmem:$0x4B0] =	vst v3  }
0x83: {  	v39 =	vand.u32 $0x7F, v22;
	v38 =	vor.u32 v37, v2;
	v30 =	vor.u32 v24, v23;
	[tilespmem:$0x4C0] =	vst v4  }
0x84: {  	v40 =	vor.u32 v39, v38;
	[tilespmem:$0x4D0] =	vst v30  }
0x85: {  	[tilespmem:$0x4F0] =	vst v40  }
0x86: {  	[tilespmem:s20], [sflag:$0x6] =	stream.indirect.gather [hbm4b:s1+s9], $0x1, s19, s9, $0xb8;
	[tilespmem:$0x800] =	vst v63  }
0x87: {  	_ =	swait.ge [sflag:s21], $0x80  }
0x88: {  	[sflag:s21] =	ssyncset.done $0x0  }
0x89: {  	[sflag:s21] =	ssyncadd.s32 $0xFFFFFF80  }
0x8a: {  	_ =	swait.ge [sflag:s21], $0x80  }
0x8b: {  	[sflag:s21] =	ssyncset.done $0x0  }
0x8c: {  	[sflag:s21] =	ssyncadd.s32 $0xFFFFFF80  }
0x8d: {  	v41 =	vld [tilespmem:$0x100]  }
0x8e: {  	v42 =	vld [tilespmem:$0x300]  }
0x8f: {  	v43 =	vld [tilespmem:$0x110]  }
0x90: {  	v44 =	vld [tilespmem:$0x310]  }
0x91: {  	v47 =	vld [tilespmem:$0x120]  }
0x92: {  	v48 =	vld [tilespmem:$0x320]  }
0x93: {  	v51 =	vld [tilespmem:$0x130]  }
0x94: {  	v52 =	vld [tilespmem:$0x330]  }
0x95: {  	v55 =	vld [tilespmem:$0x140]  }
0x96: {  	v56 =	vld [tilespmem:$0x340]  }
0x97: {  	v62 =	vld [tilespmem:$0x150]  }
0x98: {  	v63 =	vld [tilespmem:$0x350];
	v45 =	vshll.u32 v41, $0xD  }
0x99: {  	v17 =	vld [tilespmem:$0x160];
	v46 =	vshll.u32 v42, $0x3;
	v0 =	vshll.u32 v41, $0x7;
	v49 =	vshll.u32 v43, $0xD  }
0x9a: {  	v19 =	vld [tilespmem:$0x360];
	v50 =	vshll.u32 v44, $0x3;
	v2 =	vshll.u32 v43, $0x7;
	v1 =	vand.u32 $0x7F, v42  }
0x9b: {  	v22 =	vld [tilespmem:$0x170];
	v53 =	vshll.u32 v47, $0xD;
	v54 =	vshll.u32 v48, $0x3;
	v6 =	vshll.u32 v47, $0x7  }
0x9c: {  	v23 =	vld [tilespmem:$0x370];
	v3 =	vand.u32 $0x7F, v44;
	v59 =	vand.u32 $0x7F, v48;
	v60 =	vshll.u32 v51, $0xD  }
0x9d: {  	v61 =	vshll.u32 v52, $0x3;
	v8 =	vshll.u32 v51, $0x7;
	v14 =	vshll.u32 v55, $0xD  }
0x9e: {  	v15 =	vshll.u32 v56, $0x3;
	v16 =	vshll.u32 v55, $0x7;
	v20 =	vshll.u32 v62, $0xD  }
0x9f: {  	v21 =	vshll.u32 v63, $0x3;
	v7 =	vshll.u32 v62, $0x7;
	v25 =	vand.u32 $0x7F, v63  }
0xa0: {  	v26 =	vshll.u32 v17, $0xD;
	v27 =	vshll.u32 v19, $0x3;
	v30 =	vshll.u32 v17, $0x7  }
0xa1: {  	v33 =	vshll.u32 v22, $0xD;
	v34 =	vshll.u32 v23, $0x3;
	v36 =	vshll.u32 v22, $0x7  }
0xa2: {  	v37 =	vand.u32 $0x7F, v19;
	v4 =	vand.u32 $0xFFFF0000, v45;
	v5 =	vand.u32 $0xFFFFFC00, v46  }
0xa3: {  	v0 =	vand.u32 $0x380, v0;
	v2 =	vand.u32 $0x380, v2;
	v9 =	vand.u32 $0xFFFFFC00, v54  }
0xa4: {  	v6 =	vand.u32 $0x380, v6;
	v13 =	vand.u32 $0x380, v8;
	v18 =	vand.u32 $0x380, v16  }
0xa5: {  	v7 =	vand.u32 $0x380, v7;
	v28 =	vand.u32 $0xFFFF0000, v26;
	v29 =	vand.u32 $0xFFFFFC00, v27  }
0xa6: {  	v32 =	vand.u32 $0x380, v30;
	v35 =	vand.u32 $0xFFFFFC00, v34;
	v4 =	vadd.s32 v4, v5  }
0xa7: {  	v5 =	vand.u32 $0xFFFFFC00, v50;
	v0 =	vor.u32 v0, v4;
	v4 =	vand.u32 $0xFFFF0000, v49  }
0xa8: {  	v38 =	vand.u32 $0x380, v36;
	v4 =	vadd.s32 v4, v5;
	v0 =	vor.u32 v1, v0  }
0xa9: {  	v5 =	vand.u32 $0x7F, v52;
	v2 =	vor.u32 v2, v4;
	v4 =	vand.u32 $0xFFFF0000, v53  }
0xaa: {  	[tilespmem:$0x500] =	vst v0;
	v0 =	vadd.s32 v28, v29;
	v4 =	vadd.s32 v4, v9;
	v57 =	vor.u32 v3, v2  }
0xab: {  	v9 =	vand.u32 $0x7F, v56;
	v0 =	vor.u32 v32, v0;
	v58 =	vor.u32 v6, v4  }
0xac: {  	v4 =	vand.u32 $0xFFFF0000, v60;
	v6 =	vand.u32 $0xFFFFFC00, v61;
	v0 =	vor.u32 v37, v0  }
0xad: {  	v12 =	vadd.s32 v4, v6;
	v4 =	vand.u32 $0xFFFF0000, v14;
	v6 =	vand.u32 $0xFFFFFC00, v15  }
0xae: {  	[tilespmem:$0x510] =	vst v57;
	v2 =	vor.u32 v59, v58;
	v3 =	vor.u32 v13, v12;
	v4 =	vadd.s32 v4, v6  }
0xaf: {  	v6 =	vand.u32 $0xFFFF0000, v20;
	v12 =	vand.u32 $0xFFFFFC00, v21;
	[tilespmem:$0x520] =	vst v2;
	v2 =	vand.u32 $0xFFFF0000, v33  }
0xb0: {  	[tilespmem:$0x560] =	vst v0;
	v4 =	vor.u32 v18, v4;
	v6 =	vadd.s32 v6, v12;
	v3 =	vor.u32 v5, v3  }
0xb1: {  	v2 =	vadd.s32 v2, v35;
	v4 =	vor.u32 v9, v4;
	v24 =	vor.u32 v7, v6;
	[tilespmem:$0x530] =	vst v3  }
0xb2: {  	v40 =	vand.u32 $0x7F, v23;
	v39 =	vor.u32 v38, v2;
	v31 =	vor.u32 v25, v24;
	[tilespmem:$0x540] =	vst v4  }
0xb3: {  	v41 =	vor.u32 v40, v39;
	[tilespmem:$0x550] =	vst v31  }
0xb4: {  	[tilespmem:$0x570] =	vst v41  }
0xb5: {  	[tilespmem:s23], [sflag:$0x7] =	stream.indirect.gather [hbm4b:s1+s9], $0x1, s22, s9, $0xb8;
	[tilespmem:$0x800] =	vst v63  }
0xb6: {  	_ =	swait.ge [sflag:s24], $0x80  }
0xb7: {  	[sflag:s24] =	ssyncset.done $0x0  }
0xb8: {  	[sflag:s24] =	ssyncadd.s32 $0xFFFFFF80  }
0xb9: {  	_ =	swait.ge [sflag:s24], $0x80  }
0xba: {  	[sflag:s24] =	ssyncset.done $0x0  }
0xbb: {  	[sflag:s24] =	ssyncadd.s32 $0xFFFFFF80  }
0xbc: {  	v42 =	vld [tilespmem:$0x180]  }
0xbd: {  	v43 =	vld [tilespmem:$0x380]  }
0xbe: {  	v44 =	vld [tilespmem:$0x190]  }
0xbf: {  	v45 =	vld [tilespmem:$0x390]  }
0xc0: {  	v48 =	vld [tilespmem:$0x1A0]  }
0xc1: {  	v49 =	vld [tilespmem:$0x3A0]  }
0xc2: {  	v52 =	vld [tilespmem:$0x1B0]  }
0xc3: {  	v53 =	vld [tilespmem:$0x3B0]  }
0xc4: {  	v56 =	vld [tilespmem:$0x1C0]  }
0xc5: {  	v57 =	vld [tilespmem:$0x3C0]  }
0xc6: {  	v63 =	vld [tilespmem:$0x1D0]  }
0xc7: {  	v16 =	vld [tilespmem:$0x3D0];
	v46 =	vshll.u32 v42, $0xD  }
0xc8: {  	v22 =	vld [tilespmem:$0x1E0];
	v47 =	vshll.u32 v43, $0x3;
	v0 =	vshll.u32 v42, $0x7;
	v50 =	vshll.u32 v44, $0xD  }
0xc9: {  	v24 =	vld [tilespmem:$0x3E0];
	v51 =	vshll.u32 v45, $0x3;
	v2 =	vshll.u32 v44, $0x7;
	v1 =	vand.u32 $0x7F, v43  }
0xca: {  	v27 =	vld [tilespmem:$0x1F0];
	v54 =	vshll.u32 v48, $0xD;
	v55 =	vshll.u32 v49, $0x3;
	v6 =	vshll.u32 v48, $0x7  }
0xcb: {  	v28 =	vld [tilespmem:$0x3F0];
	v3 =	vand.u32 $0x7F, v45;
	v60 =	vand.u32 $0x7F, v49;
	v61 =	vshll.u32 v52, $0xD  }
0xcc: {  	v62 =	vshll.u32 v53, $0x3;
	v8 =	vshll.u32 v52, $0x7;
	v19 =	vshll.u32 v56, $0xD  }
0xcd: {  	v20 =	vshll.u32 v57, $0x3;
	v21 =	vshll.u32 v56, $0x7;
	v25 =	vshll.u32 v63, $0xD  }
0xce: {  	v26 =	vshll.u32 v16, $0x3;
	v7 =	vshll.u32 v63, $0x7;
	v30 =	vand.u32 $0x7F, v16  }
0xcf: {  	v31 =	vshll.u32 v22, $0xD;
	v32 =	vshll.u32 v24, $0x3;
	v35 =	vshll.u32 v22, $0x7  }
0xd0: {  	v38 =	vshll.u32 v27, $0xD;
	v39 =	vshll.u32 v28, $0x3;
	v41 =	vshll.u32 v27, $0x7  }
0xd1: {  	v42 =	vand.u32 $0x7F, v24;
	v4 =	vand.u32 $0xFFFF0000, v46;
	v5 =	vand.u32 $0xFFFFFC00, v47  }
0xd2: {  	v0 =	vand.u32 $0x380, v0;
	v2 =	vand.u32 $0x380, v2;
	v9 =	vand.u32 $0xFFFFFC00, v55  }
0xd3: {  	v6 =	vand.u32 $0x380, v6;
	v18 =	vand.u32 $0x380, v8;
	v23 =	vand.u32 $0x380, v21  }
0xd4: {  	v12 =	vand.u32 $0xFFFFFC00, v26;
	v7 =	vand.u32 $0x380, v7;
	v33 =	vand.u32 $0xFFFF0000, v31  }
0xd5: {  	v34 =	vand.u32 $0xFFFFFC00, v32;
	v37 =	vand.u32 $0x380, v35;
	v4 =	vadd.s32 v4, v5  }
0xd6: {  	v5 =	vand.u32 $0xFFFFFC00, v51;
	v0 =	vor.u32 v0, v4;
	v4 =	vand.u32 $0xFFFF0000, v50  }
0xd7: {  	v40 =	vand.u32 $0xFFFFFC00, v39;
	v43 =	vand.u32 $0x380, v41;
	v4 =	vadd.s32 v4, v5  }
0xd8: {  	v0 =	vor.u32 v1, v0;
	v2 =	vor.u32 v2, v4;
	v4 =	vand.u32 $0xFFFF0000, v54  }
0xd9: {  	v5 =	vand.u32 $0x7F, v53;
	[tilespmem:$0x580] =	vst v0;
	v0 =	vadd.s32 v33, v34;
	v4 =	vadd.s32 v4, v9  }
0xda: {  	v58 =	vor.u32 v3, v2;
	v9 =	vand.u32 $0x7F, v57;
	v0 =	vor.u32 v37, v0  }
0xdb: {  	v59 =	vor.u32 v6, v4;
	v4 =	vand.u32 $0xFFFF0000, v61;
	v6 =	vand.u32 $0xFFFFFC00, v62  }
0xdc: {  	v0 =	vor.u32 v42, v0;
	v2 =	vor.u32 v60, v59;
	v17 =	vadd.s32 v4, v6  }
0xdd: {  	[tilespmem:$0x590] =	vst v58;
	v4 =	vand.u32 $0xFFFF0000, v19;
	v6 =	vand.u32 $0xFFFFFC00, v20;
	v3 =	vor.u32 v18, v17  }
0xde: {  	v4 =	vadd.s32 v4, v6;
	v6 =	vand.u32 $0xFFFF0000, v25;
	[tilespmem:$0x5A0] =	vst v2;
	v2 =	vand.u32 $0xFFFF0000, v38  }
0xdf: {  	[tilespmem:$0x5E0] =	vst v0;
	v4 =	vor.u32 v23, v4;
	v6 =	vadd.s32 v6, v12;
	v3 =	vor.u32 v5, v3  }
0xe0: {  	v2 =	vadd.s32 v2, v40;
	v4 =	vor.u32 v9, v4;
	v29 =	vor.u32 v7, v6;
	[tilespmem:$0x5B0] =	vst v3  }
0xe1: {  	v45 =	vand.u32 $0x7F, v28;
	v44 =	vor.u32 v43, v2;
	v36 =	vor.u32 v30, v29;
	[tilespmem:$0x5C0] =	vst v4  }
0xe2: {  	v46 =	vor.u32 v45, v44;
	[tilespmem:$0x5D0] =	vst v36  }
0xe3: {  	[tilespmem:$0x5F0] =	vst v46  }
0xe4: {  	[tilespmem:s26], [sflag:$0x8] =	stream.indirect.gather [hbm4b:s1+s9], $0x1, s25, s9, $0xb8;
	[tilespmem:$0x800] =	vst v63  }
0xe5: {  	_ =	swait.ge [sflag:s28], $0x80  }
0xe6: {  	[sflag:s28] =	ssyncset.done $0x0  }
0xe7: {  	[sflag:s28] =	ssyncadd.s32 $0xFFFFFF80  }
0xe8: {  	v47 =	vld [tilespmem:$0x600];
	_ =	sdelay $0x4  }
0xe9: {  	v0 =	vsub.f32 $0.0e+00, v47;
	_ =	sdelay $0x1  }
0xea: {  	v0 =	vmul.f32 $1.442695020e+00, v0;
	_ =	sdelay $0x1  }
0xeb: {  	(erf) = vpow2.f32 v0;
	_ =	sdelay $0x3  }
0xec: {  	v48 =	vld [tilespmem:$0x610];
	_ =	sdelay $0x4  }
0xed: {  	v0 =	vsub.f32 $0.0e+00, v48;
	v49 =	vpop (erf)  }
0xee: {  	v1 =	vadd.f32 $1.000000000e+00, v49  }
0xef: {  	v0 =	vmul.f32 $1.442695020e+00, v0  }
0xf0: {  	(erf) = vrcp.f32 v1  }
0xf1: {  	(erf) = vpow2.f32 v0;
	_ =	sdelay $0x3  }
0xf2: {  	v50 =	vld [tilespmem:$0x620];
	_ =	sdelay $0x3  }
0xf3: {  	v1 =	vpop (erf)  }
0xf4: {  	v0 =	vsub.f32 $0.0e+00, v50;
	v51 =	vpop (erf)  }
0xf5: {  	v2 =	vadd.f32 $1.000000000e+00, v51  }
0xf6: {  	v0 =	vmul.f32 $1.442695020e+00, v0  }
0xf7: {  	(erf) = vrcp.f32 v2  }
0xf8: {  	(erf) = vpow2.f32 v0;
	_ =	sdelay $0x3  }
0xf9: {  	v52 =	vld [tilespmem:$0x630];
	_ =	sdelay $0x3  }
0xfa: {  	v2 =	vpop (erf)  }
0xfb: {  	v0 =	vsub.f32 $0.0e+00, v52;
	v53 =	vpop (erf)  }
0xfc: {  	v3 =	vadd.f32 $1.000000000e+00, v53  }
0xfd: {  	v0 =	vmul.f32 $1.442695020e+00, v0  }
0xfe: {  	(erf) = vrcp.f32 v3  }
0xff: {  	(erf) = vpow2.f32 v0;
	_ =	sdelay $0x3  }
0x100: {  	v54 =	vld [tilespmem:$0x640];
	_ =	sdelay $0x3  }
0x101: {  	v3 =	vpop (erf)  }
0x102: {  	v0 =	vsub.f32 $0.0e+00, v54;
	v55 =	vpop (erf)  }
0x103: {  	v4 =	vadd.f32 $1.000000000e+00, v55  }
0x104: {  	v0 =	vmul.f32 $1.442695020e+00, v0  }
0x105: {  	(erf) = vrcp.f32 v4  }
0x106: {  	(erf) = vpow2.f32 v0;
	_ =	sdelay $0x3  }
0x107: {  	v56 =	vld [tilespmem:$0x650];
	_ =	sdelay $0x3  }
0x108: {  	v4 =	vpop (erf)  }
0x109: {  	v0 =	vsub.f32 $0.0e+00, v56;
	v57 =	vpop (erf)  }
0x10a: {  	v5 =	vadd.f32 $1.000000000e+00, v57  }
0x10b: {  	v0 =	vmul.f32 $1.442695020e+00, v0  }
0x10c: {  	(erf) = vrcp.f32 v5  }
0x10d: {  	(erf) = vpow2.f32 v0;
	_ =	sdelay $0x3  }
0x10e: {  	v58 =	vld [tilespmem:$0x660];
	_ =	sdelay $0x3  }
0x10f: {  	v5 =	vpop (erf)  }
0x110: {  	v0 =	vsub.f32 $0.0e+00, v58;
	v59 =	vpop (erf)  }
0x111: {  	v6 =	vadd.f32 $1.000000000e+00, v59  }
0x112: {  	v0 =	vmul.f32 $1.442695020e+00, v0  }
0x113: {  	(erf) = vrcp.f32 v6  }
0x114: {  	(erf) = vpow2.f32 v0;
	_ =	sdelay $0x3  }
0x115: {  	v60 =	vld [tilespmem:$0x670];
	_ =	sdelay $0x3  }
0x116: {  	v6 =	vpop (erf)  }
0x117: {  	v0 =	vsub.f32 $0.0e+00, v60;
	v61 =	vpop (erf)  }
0x118: {  	v7 =	vadd.f32 $1.000000000e+00, v61  }
0x119: {  	v0 =	vmul.f32 $1.442695020e+00, v0  }
0x11a: {  	(erf) = vrcp.f32 v7  }
0x11b: {  	(erf) = vpow2.f32 v0;
	_ =	sdelay $0x7  }
0x11c: {  	v62 =	vpop (erf)  }
0x11d: {  	v63 =	vpop (erf)  }
0x11e: {  	v7 =	vadd.f32 $1.000000000e+00, v63;
	_ =	sdelay $0x1  }
0x11f: {  	(erf) = vrcp.f32 v7;
	_ =	sdelay $0x2  }
0x120: {  	[tilespmem:$0x600] =	vst v1  }
0x121: {  	[tilespmem:$0x610] =	vst v2  }
0x122: {  	[tilespmem:$0x620] =	vst v3  }
0x123: {  	[tilespmem:$0x630] =	vst v4  }
0x124: {  	[tilespmem:$0x640] =	vst v5  }
0x125: {  	[tilespmem:$0x650] =	vst v6  }
0x126: {  	[tilespmem:$0x660] =	vst v62;
	v9 =	vpop (erf)  }
0x127: {  	s10 =	rddreg [dreg:$0xd];
	[tilespmem:$0x670] =	vst v9  }
0x128: {  	[hbm4b:s10+s3] =	stream.linear.scatter [tilespmem:s17], [sflag:$0x9], $0x80, $0x38;
	[tilespmem:$0x800] =	vst v63  }
0x129: {  	_ =	swait.ge [sflag:s29], $0x80  }
0x12a: {  	[sflag:s29] =	ssyncset.done $0x0  }
0x12b: {  	[sflag:s29] =	ssyncadd.s32 $0xFFFFFF80  }
0x12c: {  	v10 =	vld [tilespmem:$0x680];
	_ =	sdelay $0x4  }
0x12d: {  	v0 =	vsub.f32 $0.0e+00, v10;
	_ =	sdelay $0x1  }
0x12e: {  	v0 =	vmul.f32 $1.442695020e+00, v0;
	_ =	sdelay $0x1  }
0x12f: {  	(erf) = vpow2.f32 v0;
	_ =	sdelay $0x3  }
0x130: {  	v11 =	vld [tilespmem:$0x690];
	_ =	sdelay $0x4  }
0x131: {  	v0 =	vsub.f32 $0.0e+00, v11;
	v12 =	vpop (erf)  }
0x132: {  	v1 =	vadd.f32 $1.000000000e+00, v12  }
0x133: {  	v0 =	vmul.f32 $1.442695020e+00, v0  }
0x134: {  	(erf) = vrcp.f32 v1  }
0x135: {  	(erf) = vpow2.f32 v0;
	_ =	sdelay $0x3  }
0x136: {  	v13 =	vld [tilespmem:$0x6A0];
	_ =	sdelay $0x3  }
0x137: {  	v1 =	vpop (erf)  }
0x138: {  	v0 =	vsub.f32 $0.0e+00, v13;
	v14 =	vpop (erf)  }
0x139: {  	v2 =	vadd.f32 $1.000000000e+00, v14  }
0x13a: {  	v0 =	vmul.f32 $1.442695020e+00, v0  }
0x13b: {  	(erf) = vrcp.f32 v2  }
0x13c: {  	(erf) = vpow2.f32 v0;
	_ =	sdelay $0x3  }
0x13d: {  	v15 =	vld [tilespmem:$0x6B0];
	_ =	sdelay $0x3  }
0x13e: {  	v2 =	vpop (erf)  }
0x13f: {  	v0 =	vsub.f32 $0.0e+00, v15;
	v16 =	vpop (erf)  }
0x140: {  	v3 =	vadd.f32 $1.000000000e+00, v16  }
0x141: {  	v0 =	vmul.f32 $1.442695020e+00, v0  }
0x142: {  	(erf) = vrcp.f32 v3  }
0x143: {  	(erf) = vpow2.f32 v0;
	_ =	sdelay $0x3  }
0x144: {  	v17 =	vld [tilespmem:$0x6C0];
	_ =	sdelay $0x3  }
0x145: {  	v3 =	vpop (erf)  }
0x146: {  	v0 =	vsub.f32 $0.0e+00, v17;
	v18 =	vpop (erf)  }
0x147: {  	v4 =	vadd.f32 $1.000000000e+00, v18  }
0x148: {  	v0 =	vmul.f32 $1.442695020e+00, v0  }
0x149: {  	(erf) = vrcp.f32 v4  }
0x14a: {  	(erf) = vpow2.f32 v0;
	_ =	sdelay $0x3  }
0x14b: {  	v19 =	vld [tilespmem:$0x6D0];
	_ =	sdelay $0x3  }
0x14c: {  	v4 =	vpop (erf)  }
0x14d: {  	v0 =	vsub.f32 $0.0e+00, v19;
	v20 =	vpop (erf)  }
0x14e: {  	v5 =	vadd.f32 $1.000000000e+00, v20  }
0x14f: {  	v0 =	vmul.f32 $1.442695020e+00, v0  }
0x150: {  	(erf) = vrcp.f32 v5  }
0x151: {  	(erf) = vpow2.f32 v0;
	_ =	sdelay $0x3  }
0x152: {  	v21 =	vld [tilespmem:$0x6E0];
	_ =	sdelay $0x3  }
0x153: {  	v5 =	vpop (erf)  }
0x154: {  	v0 =	vsub.f32 $0.0e+00, v21;
	v22 =	vpop (erf)  }
0x155: {  	v6 =	vadd.f32 $1.000000000e+00, v22  }
0x156: {  	v0 =	vmul.f32 $1.442695020e+00, v0  }
0x157: {  	(erf) = vrcp.f32 v6  }
0x158: {  	(erf) = vpow2.f32 v0;
	_ =	sdelay $0x3  }
0x159: {  	v23 =	vld [tilespmem:$0x6F0];
	_ =	sdelay $0x3  }
0x15a: {  	v6 =	vpop (erf)  }
0x15b: {  	v0 =	vsub.f32 $0.0e+00, v23;
	v24 =	vpop (erf)  }
0x15c: {  	v7 =	vadd.f32 $1.000000000e+00, v24  }
0x15d: {  	v0 =	vmul.f32 $1.442695020e+00, v0  }
0x15e: {  	(erf) = vrcp.f32 v7  }
0x15f: {  	(erf) = vpow2.f32 v0;
	_ =	sdelay $0x7  }
0x160: {  	v25 =	vpop (erf)  }
0x161: {  	v26 =	vpop (erf)  }
0x162: {  	v7 =	vadd.f32 $1.000000000e+00, v26;
	_ =	sdelay $0x1  }
0x163: {  	(erf) = vrcp.f32 v7;
	_ =	sdelay $0x2  }
0x164: {  	[tilespmem:$0x680] =	vst v1  }
0x165: {  	[tilespmem:$0x690] =	vst v2  }
0x166: {  	[tilespmem:$0x6A0] =	vst v3  }
0x167: {  	[tilespmem:$0x6B0] =	vst v4  }
0x168: {  	[tilespmem:$0x6C0] =	vst v5  }
0x169: {  	[tilespmem:$0x6D0] =	vst v6  }
0x16a: {  	[tilespmem:$0x6E0] =	vst v25;
	v27 =	vpop (erf)  }
0x16b: {  	[tilespmem:$0x6F0] =	vst v27  }
0x16c: {  	[hbm4b:s4+s3] =	stream.linear.scatter [tilespmem:s20], [sflag:$0x9], $0x80, $0x38;
	[tilespmem:$0x800] =	vst v63  }
0x16d: {  	_ =	swait.ge [sflag:s30], $0x80  }
0x16e: {  	[sflag:s30] =	ssyncset.done $0x0  }
0x16f: {  	[sflag:s30] =	ssyncadd.s32 $0xFFFFFF80  }
0x170: {  	v28 =	vld [tilespmem:$0x700];
	_ =	sdelay $0x4  }
0x171: {  	v0 =	vsub.f32 $0.0e+00, v28;
	_ =	sdelay $0x1  }
0x172: {  	v0 =	vmul.f32 $1.442695020e+00, v0;
	_ =	sdelay $0x1  }
0x173: {  	(erf) = vpow2.f32 v0;
	_ =	sdelay $0x3  }
0x174: {  	v29 =	vld [tilespmem:$0x710];
	_ =	sdelay $0x4  }
0x175: {  	v0 =	vsub.f32 $0.0e+00, v29;
	v30 =	vpop (erf)  }
0x176: {  	v1 =	vadd.f32 $1.000000000e+00, v30  }
0x177: {  	v0 =	vmul.f32 $1.442695020e+00, v0  }
0x178: {  	(erf) = vrcp.f32 v1  }
0x179: {  	(erf) = vpow2.f32 v0;
	_ =	sdelay $0x3  }
0x17a: {  	v31 =	vld [tilespmem:$0x720];
	_ =	sdelay $0x3  }
0x17b: {  	v1 =	vpop (erf)  }
0x17c: {  	v0 =	vsub.f32 $0.0e+00, v31;
	v32 =	vpop (erf)  }
0x17d: {  	v2 =	vadd.f32 $1.000000000e+00, v32  }
0x17e: {  	v0 =	vmul.f32 $1.442695020e+00, v0  }
0x17f: {  	(erf) = vrcp.f32 v2  }
0x180: {  	(erf) = vpow2.f32 v0;
	_ =	sdelay $0x3  }
0x181: {  	v33 =	vld [tilespmem:$0x730];
	_ =	sdelay $0x3  }
0x182: {  	v2 =	vpop (erf)  }
0x183: {  	v0 =	vsub.f32 $0.0e+00, v33;
	v34 =	vpop (erf)  }
0x184: {  	v3 =	vadd.f32 $1.000000000e+00, v34  }
0x185: {  	v0 =	vmul.f32 $1.442695020e+00, v0  }
0x186: {  	(erf) = vrcp.f32 v3  }
0x187: {  	(erf) = vpow2.f32 v0;
	_ =	sdelay $0x3  }
0x188: {  	v35 =	vld [tilespmem:$0x740];
	_ =	sdelay $0x3  }
0x189: {  	v3 =	vpop (erf)  }
0x18a: {  	v0 =	vsub.f32 $0.0e+00, v35;
	v36 =	vpop (erf)  }
0x18b: {  	v4 =	vadd.f32 $1.000000000e+00, v36  }
0x18c: {  	v0 =	vmul.f32 $1.442695020e+00, v0  }
0x18d: {  	(erf) = vrcp.f32 v4  }
0x18e: {  	(erf) = vpow2.f32 v0;
	_ =	sdelay $0x3  }
0x18f: {  	v37 =	vld [tilespmem:$0x750];
	_ =	sdelay $0x3  }
0x190: {  	v4 =	vpop (erf)  }
0x191: {  	v0 =	vsub.f32 $0.0e+00, v37;
	v38 =	vpop (erf)  }
0x192: {  	v5 =	vadd.f32 $1.000000000e+00, v38  }
0x193: {  	v0 =	vmul.f32 $1.442695020e+00, v0  }
0x194: {  	(erf) = vrcp.f32 v5  }
0x195: {  	(erf) = vpow2.f32 v0;
	_ =	sdelay $0x3  }
0x196: {  	v39 =	vld [tilespmem:$0x760];
	_ =	sdelay $0x3  }
0x197: {  	v5 =	vpop (erf)  }
0x198: {  	v0 =	vsub.f32 $0.0e+00, v39;
	v40 =	vpop (erf)  }
0x199: {  	v6 =	vadd.f32 $1.000000000e+00, v40  }
0x19a: {  	v0 =	vmul.f32 $1.442695020e+00, v0  }
0x19b: {  	(erf) = vrcp.f32 v6  }
0x19c: {  	(erf) = vpow2.f32 v0;
	_ =	sdelay $0x3  }
0x19d: {  	v41 =	vld [tilespmem:$0x770];
	_ =	sdelay $0x3  }
0x19e: {  	v6 =	vpop (erf)  }
0x19f: {  	v0 =	vsub.f32 $0.0e+00, v41;
	v42 =	vpop (erf)  }
0x1a0: {  	v7 =	vadd.f32 $1.000000000e+00, v42  }
0x1a1: {  	v0 =	vmul.f32 $1.442695020e+00, v0  }
0x1a2: {  	(erf) = vrcp.f32 v7  }
0x1a3: {  	(erf) = vpow2.f32 v0;
	_ =	sdelay $0x7  }
0x1a4: {  	v43 =	vpop (erf)  }
0x1a5: {  	v44 =	vpop (erf)  }
0x1a6: {  	v7 =	vadd.f32 $1.000000000e+00, v44;
	_ =	sdelay $0x1  }
0x1a7: {  	(erf) = vrcp.f32 v7;
	_ =	sdelay $0x2  }
0x1a8: {  	[tilespmem:$0x700] =	vst v1  }
0x1a9: {  	[tilespmem:$0x710] =	vst v2  }
0x1aa: {  	[tilespmem:$0x720] =	vst v3  }
0x1ab: {  	[tilespmem:$0x730] =	vst v4  }
0x1ac: {  	[tilespmem:$0x740] =	vst v5  }
0x1ad: {  	[tilespmem:$0x750] =	vst v6  }
0x1ae: {  	[tilespmem:$0x760] =	vst v43;
	v45 =	vpop (erf)  }
0x1af: {  	[tilespmem:$0x770] =	vst v45  }
0x1b0: {  	[hbm4b:s5+s3] =	stream.linear.scatter [tilespmem:s23], [sflag:$0x9], $0x80, $0x38;
	[tilespmem:$0x800] =	vst v63  }
0x1b1: {  	_ =	swait.ge [sflag:s31], $0x80  }
0x1b2: {  	[sflag:s31] =	ssyncset.done $0x0  }
0x1b3: {  	[sflag:s31] =	ssyncadd.s32 $0xFFFFFF80  }
0x1b4: {  	v46 =	vld [tilespmem:$0x780];
	_ =	sdelay $0x4  }
0x1b5: {  	v0 =	vsub.f32 $0.0e+00, v46;
	_ =	sdelay $0x1  }
0x1b6: {  	v0 =	vmul.f32 $1.442695020e+00, v0;
	_ =	sdelay $0x1  }
0x1b7: {  	(erf) = vpow2.f32 v0;
	_ =	sdelay $0x3  }
0x1b8: {  	v47 =	vld [tilespmem:$0x790];
	_ =	sdelay $0x4  }
0x1b9: {  	v0 =	vsub.f32 $0.0e+00, v47;
	v48 =	vpop (erf)  }
0x1ba: {  	v1 =	vadd.f32 $1.000000000e+00, v48  }
0x1bb: {  	v0 =	vmul.f32 $1.442695020e+00, v0  }
0x1bc: {  	(erf) = vrcp.f32 v1  }
0x1bd: {  	(erf) = vpow2.f32 v0;
	_ =	sdelay $0x3  }
0x1be: {  	v49 =	vld [tilespmem:$0x7A0];
	_ =	sdelay $0x3  }
0x1bf: {  	v1 =	vpop (erf)  }
0x1c0: {  	v0 =	vsub.f32 $0.0e+00, v49;
	v50 =	vpop (erf)  }
0x1c1: {  	v2 =	vadd.f32 $1.000000000e+00, v50  }
0x1c2: {  	v0 =	vmul.f32 $1.442695020e+00, v0  }
0x1c3: {  	(erf) = vrcp.f32 v2  }
0x1c4: {  	(erf) = vpow2.f32 v0;
	_ =	sdelay $0x3  }
0x1c5: {  	v51 =	vld [tilespmem:$0x7B0];
	_ =	sdelay $0x3  }
0x1c6: {  	v2 =	vpop (erf)  }
0x1c7: {  	v0 =	vsub.f32 $0.0e+00, v51;
	v52 =	vpop (erf)  }
0x1c8: {  	v3 =	vadd.f32 $1.000000000e+00, v52  }
0x1c9: {  	v0 =	vmul.f32 $1.442695020e+00, v0  }
0x1ca: {  	(erf) = vrcp.f32 v3  }
0x1cb: {  	(erf) = vpow2.f32 v0;
	_ =	sdelay $0x3  }
0x1cc: {  	v53 =	vld [tilespmem:$0x7C0];
	_ =	sdelay $0x3  }
0x1cd: {  	v3 =	vpop (erf)  }
0x1ce: {  	v0 =	vsub.f32 $0.0e+00, v53;
	v54 =	vpop (erf)  }
0x1cf: {  	v4 =	vadd.f32 $1.000000000e+00, v54  }
0x1d0: {  	v0 =	vmul.f32 $1.442695020e+00, v0  }
0x1d1: {  	(erf) = vrcp.f32 v4  }
0x1d2: {  	(erf) = vpow2.f32 v0;
	_ =	sdelay $0x3  }
0x1d3: {  	v55 =	vld [tilespmem:$0x7D0];
	_ =	sdelay $0x3  }
0x1d4: {  	v4 =	vpop (erf)  }
0x1d5: {  	v0 =	vsub.f32 $0.0e+00, v55;
	v56 =	vpop (erf)  }
0x1d6: {  	v5 =	vadd.f32 $1.000000000e+00, v56  }
0x1d7: {  	v0 =	vmul.f32 $1.442695020e+00, v0  }
0x1d8: {  	(erf) = vrcp.f32 v5  }
0x1d9: {  	(erf) = vpow2.f32 v0;
	_ =	sdelay $0x3  }
0x1da: {  	v57 =	vld [tilespmem:$0x7E0];
	_ =	sdelay $0x3  }
0x1db: {  	v5 =	vpop (erf)  }
0x1dc: {  	v0 =	vsub.f32 $0.0e+00, v57;
	v58 =	vpop (erf)  }
0x1dd: {  	v6 =	vadd.f32 $1.000000000e+00, v58  }
0x1de: {  	v0 =	vmul.f32 $1.442695020e+00, v0  }
0x1df: {  	(erf) = vrcp.f32 v6  }
0x1e0: {  	(erf) = vpow2.f32 v0;
	_ =	sdelay $0x3  }
0x1e1: {  	v59 =	vld [tilespmem:$0x7F0];
	_ =	sdelay $0x3  }
0x1e2: {  	v6 =	vpop (erf)  }
0x1e3: {  	v0 =	vsub.f32 $0.0e+00, v59;
	v60 =	vpop (erf)  }
0x1e4: {  	v7 =	vadd.f32 $1.000000000e+00, v60  }
0x1e5: {  	v0 =	vmul.f32 $1.442695020e+00, v0  }
0x1e6: {  	(erf) = vrcp.f32 v7  }
0x1e7: {  	(erf) = vpow2.f32 v0;
	_ =	sdelay $0x7  }
0x1e8: {  	v61 =	vpop (erf)  }
0x1e9: {  	v62 =	vpop (erf)  }
0x1ea: {  	v7 =	vadd.f32 $1.000000000e+00, v62;
	_ =	sdelay $0x1  }
0x1eb: {  	(erf) = vrcp.f32 v7;
	_ =	sdelay $0x2  }
0x1ec: {  	[tilespmem:$0x780] =	vst v1  }
0x1ed: {  	[tilespmem:$0x790] =	vst v2  }
0x1ee: {  	[tilespmem:$0x7A0] =	vst v3  }
0x1ef: {  	[tilespmem:$0x7B0] =	vst v4  }
0x1f0: {  	[tilespmem:$0x7C0] =	vst v5  }
0x1f1: {  	[tilespmem:$0x7D0] =	vst v6  }
0x1f2: {  	[tilespmem:$0x7E0] =	vst v61;
	v63 =	vpop (erf)  }
0x1f3: {  	[tilespmem:$0x7F0] =	vst v63  }
0x1f4: {  	[hbm4b:s6+s3] =	stream.linear.scatter [tilespmem:s26], [sflag:$0x9], $0x80, $0x38;
	[tilespmem:$0x800] =	vst v63  }
0x1f5: {  	_ =	swait.ge [sflag:s0], $0x80  }
0x1f6: {  	[sflag:s0] =	ssyncset.done $0x0  }
0x1f7: {  	[sflag:s0] =	ssyncadd.s32 $0xFFFFFF80  }
0x1f8: {  	_ =	swait.ge [sflag:s0], $0x80  }
0x1f9: {  	[sflag:s0] =	ssyncset.done $0x0  }
0x1fa: {  	[sflag:s0] =	ssyncadd.s32 $0xFFFFFF80  }
0x1fb: {  	p0 =	sne.s32 s7, $0x1;
	_ =	swait.ge [sflag:s0], $0x80  }
.Ltmp0:
0x1fc: {  	[sflag:s0] =	ssyncset.done $0x0;
	(pc) =	sbr.rel @p0 .LBB2_1-.Ltmp0, $4  }
0x1fd: {  	[sflag:s0] =	ssyncadd.s32 $0xFFFFFF80  }
0x1fe: {  	_ =	swait.ge [sflag:s0], $0x80  }
0x1ff: {  	[sflag:s0] =	ssyncset.done $0x0  }
0x200: {  	s7 =	sadd.s32 $0xFFFFFFFF, s7;
	[sflag:s0] =	ssyncadd.s32 $0xFFFFFF80  }
0x201: {  	_ =	sfence.sel $0x180000  }
0x202: {  	[bflag:$0x0] =	sbarrier.arrive $0xFFFF  }
0x203: {  	_ =	strace $0x90000047  }
0x204: {  	s0 =	stileid.u32;
	[bflag:$0x2] =	sbarrier.arrive $0xFFFF  }
0x205: {  	p0 =	sne.s32 s0, $0x0;
	s0 =	rddreg [dreg:$0x4]  }
0x206: {  	s0 =	sadd.s32 @!p0 $0x100000, s0  }
0x207: {  	[sflag:s0] =	ssyncadd.tile.s32 @!p0 $0x1;
	_ =	shalt  }
.Lfunc_end2:
_tile_overlayer_lowered:
.L_overlay_start_2:
0x208: {  	(tag) =	ssettag $0x2  }
0x209: {  	s0 =	rddreg [dreg:$0x0];
	s2 =	stileid.u32  }
0x20a: {  	s1 =	rddreg [dreg:$0x1];
	p0 =	sne.s32 s2, $0x0  }
0x20b: {  	s3 =	rddreg [dreg:$0x2];
	[bflag:$0x3] =	sbarrier.arrive $0xFFFF;
	s2 =	simm.s32 @!p0 $0x1C0A  }
0x20c: {  	[timem:s3], [sflag:s2] =	dma.local @!p0 [hbm:s0], s1  }
0x20d: {  	s0 =	simm.s32 @!p0 $0xA  }
0x20e: {  	_ =	swait.ge @!p0 [sflag:s0], s1  }
0x20f: {  	s1 =	ssub.s32 @!p0 $0x0, s1;
	[sflag:s0] =	ssyncset.done @!p0 $0x0  }
0x210: {  	[sflag:s0] =	ssyncadd.s32 @!p0 s1  }
0x211: {  	[bflag:$0x3] =	sbarrier.arrive $0xFFFF  }
0x212: {  	_ =	shalt  }

</sc_bundles>
